<compile_context>
chip_gen: v7x
topology: tpu7x:2x2x1
jax: 0.10.2.dev20260603
libtpu: 0.0.44.dev20260713+nightly
codegen_flags: <defaults>
</compile_context>

<pallas_src>
import jax
import jax.numpy as jnp
from jax import lax
from jax.experimental import pallas as pl
from jax.experimental.pallas import tpu as pltpu
from jax.experimental.pallas import tpu_sc as plsc

Q = 1024
D = 128
K = 100000
KB = 2048
KPAD = 100352
NRET = 8
SEGW = 16
NSEG = KPAD // SEGW
SEGB = KB // SEGW
NSEL = 16
QB = 256
OBSF = 3 * 16 * 16

NC = 2
NS = 16
L = 16
NW = NC * NS
QW = Q // NW



def _dist_body(q_ref, k_ref, d2_ref, smin_ref, qsq_ref):
    i = pl.program_id(0)

    @pl.when(i == 0)
    def _():
        qs = jnp.sum(q_ref[...] * q_ref[...], axis=1)
        qsq_ref[...] = qs[None, :]

    q = q_ref[...]
    kblk = k_ref[...]
    ksq = jnp.sum(kblk * kblk, axis=1)
    qk = lax.dot_general(q, kblk, (((1,), (1,)), ((), ())),
                         preferred_element_type=jnp.float32)
    qsq = jnp.sum(q * q, axis=1, keepdims=True)
    d2_ref[...] = jnp.maximum(qsq + ksq[None, :] - 2.0 * qk, 0.0)
    qkt = lax.dot_general(kblk, q, (((1,), (1,)), ((), ())),
                          preferred_element_type=jnp.float32)
    d2t = jnp.maximum(qsq_ref[...] + ksq[:, None] - 2.0 * qkt, 0.0)
    smin_ref[...] = jnp.min(d2t.reshape(SEGB, SEGW, Q), axis=1)


def _distances(q, k):
    kp = jnp.pad(k, ((0, KPAD - K), (0, 0)), constant_values=1e4)
    grid = (KPAD // KB,)
    return pl.pallas_call(
        _dist_body,
        grid=grid,
        in_specs=[
            pl.BlockSpec((Q, D), lambda i: (0, 0)),
            pl.BlockSpec((KB, D), lambda i: (i, 0)),
        ],
        out_specs=[
            pl.BlockSpec((Q, KB), lambda i: (0, i)),
            pl.BlockSpec((SEGB, Q), lambda i: (i, 0)),
        ],
        out_shape=[
            jax.ShapeDtypeStruct((Q, KPAD), jnp.float32),
            jax.ShapeDtypeStruct((NSEG, Q), jnp.float32),
        ],
        scratch_shapes=[pltpu.VMEM((1, Q), jnp.float32)],
    )(q, kp)



def _segsel_body(smin_ref, ids_ref):
    s = smin_ref[...]
    iota = lax.broadcasted_iota(jnp.int32, s.shape, 0)
    ids = []
    for _ in range(NSEL):
        m = jnp.min(s, axis=0, keepdims=True)
        am = jnp.min(jnp.where(s == m, iota, jnp.int32(2**30)),
                     axis=0, keepdims=True)
        ids.append(am[0, :])
        s = jnp.where(iota == am, jnp.float32(jnp.inf), s)
    ids = jnp.stack(ids, axis=0)
    rank = jnp.sum((ids[None, :, :] < ids[:, None, :]).astype(jnp.int32),
                   axis=1)
    slot = lax.broadcasted_iota(jnp.int32, (NSEL, NSEL, QB), 0)
    placed = jnp.where(rank[None, :, :] == slot, ids[None, :, :], 0)
    ids_ref[...] = jnp.transpose(jnp.sum(placed, axis=1), (1, 0))


def _select_segments(smin):
    return pl.pallas_call(
        _segsel_body,
        grid=(Q // QB,),
        in_specs=[pl.BlockSpec((NSEG, QB), lambda i: (0, i))],
        out_specs=pl.BlockSpec((QB, NSEL), lambda i: (i, 0)),
        out_shape=jax.ShapeDtypeStruct((Q, NSEL), jnp.int32),
    )(smin)



def _top8_body(cand_ref, cols_ref, idx_ref):
    s = cand_ref[...]
    cols = cols_ref[...]
    iota = lax.broadcasted_iota(jnp.int32, s.shape, 1)
    for r in range(NRET):
        m = jnp.min(s, axis=1, keepdims=True)
        am = jnp.min(jnp.where(s == m, iota, jnp.int32(2**30)),
                     axis=1, keepdims=True)
        hit = iota == am
        idx_ref[:, r] = jnp.sum(jnp.where(hit, cols, 0), axis=1)
        s = jnp.where(hit, jnp.float32(jnp.inf), s)


def _top8(cand, cols):
    return pl.pallas_call(
        _top8_body,
        grid=(Q // QB,),
        in_specs=[
            pl.BlockSpec((QB, NSEL * SEGW), lambda i: (i, 0)),
            pl.BlockSpec((QB, NSEL * SEGW), lambda i: (i, 0)),
        ],
        out_specs=pl.BlockSpec((QB, NRET), lambda i: (i, 0)),
        out_shape=jax.ShapeDtypeStruct((Q, NRET), jnp.int32),
    )(cand, cols)



GB = 64
RPW = NRET * Q // NW


def _scg_body(idx_hbm, obsf, outf, idx_v, buf0, buf1, sem0, sem1):
    wid = lax.axis_index("s") * NC + lax.axis_index("c")
    base = wid * RPW
    pltpu.sync_copy(idx_hbm.at[pl.ds(base, RPW)], idx_v)
    bufs = (buf0, buf1)
    sems = (sem0, sem1)
    nchunk = RPW // GB
    prev = pltpu.async_copy(obsf.at[idx_v.at[pl.ds(0, GB)]], bufs[0],
                            sems[0])
    for c in range(nchunk):
        if c + 1 < nchunk:
            nxt = pltpu.async_copy(
                obsf.at[idx_v.at[pl.ds((c + 1) * GB, GB)]],
                bufs[(c + 1) % 2], sems[(c + 1) % 2])
        prev.wait()
        pltpu.sync_copy(bufs[c % 2], outf.at[pl.ds(base + c * GB, GB)])
        if c + 1 < nchunk:
            prev = nxt


def _sc_obs_gather(idxt, obs):
    obsf = obs.reshape(K, OBSF)
    mesh = plsc.VectorSubcoreMesh(core_axis_name="c", subcore_axis_name="s")
    run = pl.kernel(
        _scg_body,
        out_type=jax.ShapeDtypeStruct((NRET * Q, OBSF), jnp.float32),
        mesh=mesh,
        scratch_types=[
            pltpu.VMEM((RPW,), jnp.int32),
            pltpu.VMEM((GB, OBSF), jnp.float32),
            pltpu.VMEM((GB, OBSF), jnp.float32),
            pltpu.SemaphoreType.DMA,
            pltpu.SemaphoreType.DMA,
        ],
    )
    return run(idxt, obsf)


def kernel(q, k, obs):
    d2, smin = _distances(q, k)
    segids = _select_segments(smin)
    seg8 = segids >> 3
    off = segids & 7
    grows = (jnp.arange(Q, dtype=jnp.int32)[:, None] * (KPAD // 128)
             + seg8).reshape(-1)
    cands8 = jnp.take(d2.reshape(Q * (KPAD // 128), 128), grows,
                      axis=0).reshape(Q, NSEL, 128)
    wincols = (off[:, :, None] * SEGW
               + jnp.arange(SEGW, dtype=jnp.int32)[None, None, :])
    cand = jnp.take_along_axis(cands8, wincols, axis=2).reshape(
        Q, NSEL * SEGW)
    cols = (segids[:, :, None] * SEGW
            + jnp.arange(SEGW, dtype=jnp.int32)[None, None, :]
            ).reshape(Q, NSEL * SEGW)
    idx = _top8(cand, cols)
    idxt = jnp.transpose(idx, (1, 0)).reshape(NRET * Q)
    outf = _sc_obs_gather(idxt, obs)
    return outf.reshape(NRET, Q, 3, 16, 16)

# --- scband reference (transcript-rebuilt; emitter-appended) ---
"""Pipeline reference for scband-knnselector-52664888984289 (READ-ONLY COPY).

The authoritative reference and input builder live on the scoring server;
editing this copy changes nothing except your own understanding.
"""

import jax, jax.numpy as jnp
import numpy as np

N_RETRIEVAL = 8

def setup_inputs(seed: int = 0) -> dict:
    key = jax.random.key(seed)
    kq, kk, ko = jax.random.split(key, 3)
    q = jax.random.normal(kq, (1024, 128), dtype=jnp.float32)
    k = jax.random.normal(kk, (100000, 128), dtype=jnp.float32)
    obs = jax.random.normal(ko, (100000, 3, 16, 16), dtype=jnp.float32)
    return {"q": q, "k": k, "obs": obs}

def reference(q, k, obs):
    # KNeighborsClassifier.kneighbors: euclidean distances, sorted ascending.
    # dist^2(i,j) = |q_i|^2 + |k_j|^2 - 2 q_i . k_j
    q_sq = jnp.sum(q * q, axis=1, keepdims=True)            # [Q, 1]
    k_sq = jnp.sum(k * k, axis=1)[None, :]                  # [1, K]
    d2 = q_sq + k_sq - 2.0 * (q @ k.T)                      # [Q, K]
    d2 = jnp.maximum(d2, 0.0)
    # top-k smallest distances -> top_k of negated squared distances
    neg_vals, indices = jax.lax.top_k(-d2, N_RETRIEVAL)     # [Q, n_ret]
    distances = jnp.sqrt(-neg_vals)                         # computed as in original (unused in output)
    selected_obs = obs[indices]                             # [Q, n_ret, C, H, W]
    selected_obs = jnp.transpose(selected_obs, (1, 0, 2, 3, 4))  # [n_ret, Q, C, H, W]
    return selected_obs

if __name__ == "__main__":
    import jax
    _d = setup_inputs()
    print(jax.jit(kernel)(*tuple(_d.values())))

</pallas_src>

<mosaic_0001>
#map = affine_map<(d0, d1) -> (0)>
#map1 = affine_map<(d0, d1) -> (0, 0)>
module attributes {stable_mosaic.version = 14 : i64} {
  func.func @_scg_body(%arg0: i32, %arg1: i32, %arg2: memref<8192xi32, #tpu.memory_space<hbm>>, %arg3: memref<100000x768xf32, #tpu.memory_space<hbm>>, %arg4: memref<8192x768xf32, #tpu.memory_space<hbm>>, %arg5: memref<256xi32, #tpu.memory_space<vmem>>, %arg6: memref<64x768xf32, #tpu.memory_space<vmem>>, %arg7: memref<64x768xf32, #tpu.memory_space<vmem>>, %arg8: memref<!tpu.dma_semaphore, #tpu.memory_space<semaphore_mem>>, %arg9: memref<!tpu.dma_semaphore, #tpu.memory_space<semaphore_mem>>) attributes {dimension_semantics = [#tpu.dimension_semantics<core_parallel>, #tpu.dimension_semantics<subcore_parallel>], iteration_bounds = array<i64: 2, 16>, scalar_prefetch = 0 : i64, scratch_operands = 5 : i64, tpu.core_type = #tpu.core_type<sc_vector_subcore>, window_params = [{transform_indices = #map}, {transform_indices = #map1}, {transform_indices = #map1}]} {
    %mul3A = arith.constant 2 : i32
    %mul3A_0 = arith.muli %arg1, %mul3A : i32
    %add3A = arith.addi %mul3A_0, %arg0 : i32
    %mul3A_1 = arith.constant 256 : i32
    %mul3A_2 = arith.muli %add3A, %mul3A_1 : i32
    "tpu.region"() ({
      %run_scoped3A = tpu.sem_alloc : memref<!tpu.dma_semaphore, #tpu.memory_space<semaphore_mem>>
      %dma_start3A_49 = tpu.memref_slice %arg2[%mul3A_2] : memref<8192xi32, #tpu.memory_space<hbm>> -> memref<256xi32, #tpu.memory_space<hbm>>
      %dma_start3A_50 = tpu.memref_slice %arg2[%mul3A_2] : memref<8192xi32, #tpu.memory_space<hbm>> -> memref<256xi32, #tpu.memory_space<hbm>>
      tpu.enqueue_dma source(%dma_start3A_50 : memref<256xi32, #tpu.memory_space<hbm>>) target(%arg5 : memref<256xi32, #tpu.memory_space<vmem>>) target_semaphore(%run_scoped3A : memref<!tpu.dma_semaphore, #tpu.memory_space<semaphore_mem>>)
      %dma_wait3A_51 = tpu.memref_slice %arg2[%mul3A_2] : memref<8192xi32, #tpu.memory_space<hbm>> -> memref<256xi32, #tpu.memory_space<hbm>>
      %dma_wait3A_52 = tpu.memref_slice %arg2[%mul3A_2] : memref<8192xi32, #tpu.memory_space<hbm>> -> memref<256xi32, #tpu.memory_space<hbm>>
      tpu.wait_dma2 semaphore(%run_scoped3A : memref<!tpu.dma_semaphore, #tpu.memory_space<semaphore_mem>>) src(%dma_wait3A_52 : memref<256xi32, #tpu.memory_space<hbm>>) dst(%arg5 : memref<256xi32, #tpu.memory_space<vmem>>)
      tpu.yield
    }) : () -> ()
    %dma_start3A = arith.constant 0 : i32
    %dma_start3A_3 = tpu.memref_slice %arg5[%dma_start3A] : memref<256xi32, #tpu.memory_space<vmem>> -> memref<64xi32, #tpu.memory_space<vmem>>
    %dma_start3A_4 = arith.constant 0 : i32
    %dma_start3A_5 = arith.constant 0 : i32
    %dma_start3A_6 = tpu.memref_slice %arg3[%dma_start3A_4, %dma_start3A_5] : memref<100000x768xf32, #tpu.memory_space<hbm>> -> memref<100000x768xf32, #tpu.memory_space<hbm>>
    tpu.enqueue_indirect_dma source(%dma_start3A_6 : memref<100000x768xf32, #tpu.memory_space<hbm>>) target(%arg6 : memref<64x768xf32, #tpu.memory_space<vmem>>) offsets(%dma_start3A_3 : memref<64xi32, #tpu.memory_space<vmem>>) semaphore(%arg8 : memref<!tpu.dma_semaphore, #tpu.memory_space<semaphore_mem>>)
    %dma_start3A_7 = arith.constant 64 : i32
    %dma_start3A_8 = tpu.memref_slice %arg5[%dma_start3A_7] : memref<256xi32, #tpu.memory_space<vmem>> -> memref<64xi32, #tpu.memory_space<vmem>>
    %dma_start3A_9 = arith.constant 0 : i32
    %dma_start3A_10 = arith.constant 0 : i32
    %dma_start3A_11 = tpu.memref_slice %arg3[%dma_start3A_9, %dma_start3A_10] : memref<100000x768xf32, #tpu.memory_space<hbm>> -> memref<100000x768xf32, #tpu.memory_space<hbm>>
    tpu.enqueue_indirect_dma source(%dma_start3A_11 : memref<100000x768xf32, #tpu.memory_space<hbm>>) target(%arg7 : memref<64x768xf32, #tpu.memory_space<vmem>>) offsets(%dma_start3A_8 : memref<64xi32, #tpu.memory_space<vmem>>) semaphore(%arg9 : memref<!tpu.dma_semaphore, #tpu.memory_space<semaphore_mem>>)
    %dma_wait3A = arith.constant 0 : i32
    %dma_wait3A_12 = tpu.memref_slice %arg5[%dma_wait3A] : memref<256xi32, #tpu.memory_space<vmem>> -> memref<64xi32, #tpu.memory_space<vmem>>
    %dma_wait3A_13 = arith.constant 0 : i32
    %dma_wait3A_14 = arith.constant 0 : i32
    %dma_wait3A_15 = tpu.memref_slice %arg3[%dma_wait3A_13, %dma_wait3A_14] : memref<100000x768xf32, #tpu.memory_space<hbm>> -> memref<100000x768xf32, #tpu.memory_space<hbm>>
    tpu.wait_indirect_dma semaphore(%arg8 : memref<!tpu.dma_semaphore, #tpu.memory_space<semaphore_mem>>) src(%dma_wait3A_15 : memref<100000x768xf32, #tpu.memory_space<hbm>>) dst(%arg6 : memref<64x768xf32, #tpu.memory_space<vmem>>)
    %add3A_16 = arith.constant 0 : i32
    %add3A_17 = arith.addi %mul3A_2, %add3A_16 : i32
    "tpu.region"() ({
      %run_scoped3A = tpu.sem_alloc : memref<!tpu.dma_semaphore, #tpu.memory_space<semaphore_mem>>
      %dma_start3A_49 = arith.constant 0 : i32
      %dma_start3A_50 = tpu.memref_slice %arg4[%add3A_17, %dma_start3A_49] : memref<8192x768xf32, #tpu.memory_space<hbm>> -> memref<64x768xf32, #tpu.memory_space<hbm>>
      %dma_start3A_51 = arith.constant 0 : i32
      %dma_start3A_52 = tpu.memref_slice %arg4[%add3A_17, %dma_start3A_51] : memref<8192x768xf32, #tpu.memory_space<hbm>> -> memref<64x768xf32, #tpu.memory_space<hbm>>
      tpu.enqueue_dma source(%arg6 : memref<64x768xf32, #tpu.memory_space<vmem>>) target(%dma_start3A_52 : memref<64x768xf32, #tpu.memory_space<hbm>>) target_semaphore(%run_scoped3A : memref<!tpu.dma_semaphore, #tpu.memory_space<semaphore_mem>>)
      %dma_wait3A_53 = arith.constant 0 : i32
      %dma_wait3A_54 = tpu.memref_slice %arg4[%add3A_17, %dma_wait3A_53] : memref<8192x768xf32, #tpu.memory_space<hbm>> -> memref<64x768xf32, #tpu.memory_space<hbm>>
      %dma_wait3A_55 = arith.constant 0 : i32
      %dma_wait3A_56 = tpu.memref_slice %arg4[%add3A_17, %dma_wait3A_55] : memref<8192x768xf32, #tpu.memory_space<hbm>> -> memref<64x768xf32, #tpu.memory_space<hbm>>
      tpu.wait_dma2 semaphore(%run_scoped3A : memref<!tpu.dma_semaphore, #tpu.memory_space<semaphore_mem>>) src(%arg6 : memref<64x768xf32, #tpu.memory_space<vmem>>) dst(%dma_wait3A_56 : memref<64x768xf32, #tpu.memory_space<hbm>>)
      tpu.yield
    }) : () -> ()
    %dma_start3A_18 = arith.constant 128 : i32
    %dma_start3A_19 = tpu.memref_slice %arg5[%dma_start3A_18] : memref<256xi32, #tpu.memory_space<vmem>> -> memref<64xi32, #tpu.memory_space<vmem>>
    %dma_start3A_20 = arith.constant 0 : i32
    %dma_start3A_21 = arith.constant 0 : i32
    %dma_start3A_22 = tpu.memref_slice %arg3[%dma_start3A_20, %dma_start3A_21] : memref<100000x768xf32, #tpu.memory_space<hbm>> -> memref<100000x768xf32, #tpu.memory_space<hbm>>
    tpu.enqueue_indirect_dma source(%dma_start3A_22 : memref<100000x768xf32, #tpu.memory_space<hbm>>) target(%arg6 : memref<64x768xf32, #tpu.memory_space<vmem>>) offsets(%dma_start3A_19 : memref<64xi32, #tpu.memory_space<vmem>>) semaphore(%arg8 : memref<!tpu.dma_semaphore, #tpu.memory_space<semaphore_mem>>)
    %dma_wait3A_23 = arith.constant 64 : i32
    %dma_wait3A_24 = tpu.memref_slice %arg5[%dma_wait3A_23] : memref<256xi32, #tpu.memory_space<vmem>> -> memref<64xi32, #tpu.memory_space<vmem>>
    %dma_wait3A_25 = arith.constant 0 : i32
    %dma_wait3A_26 = arith.constant 0 : i32
    %dma_wait3A_27 = tpu.memref_slice %arg3[%dma_wait3A_25, %dma_wait3A_26] : memref<100000x768xf32, #tpu.memory_space<hbm>> -> memref<100000x768xf32, #tpu.memory_space<hbm>>
    tpu.wait_indirect_dma semaphore(%arg9 : memref<!tpu.dma_semaphore, #tpu.memory_space<semaphore_mem>>) src(%dma_wait3A_27 : memref<100000x768xf32, #tpu.memory_space<hbm>>) dst(%arg7 : memref<64x768xf32, #tpu.memory_space<vmem>>)
    %add3A_28 = arith.constant 64 : i32
    %add3A_29 = arith.addi %mul3A_2, %add3A_28 : i32
    "tpu.region"() ({
      %run_scoped3A = tpu.sem_alloc : memref<!tpu.dma_semaphore, #tpu.memory_space<semaphore_mem>>
      %dma_start3A_49 = arith.constant 0 : i32
      %dma_start3A_50 = tpu.memref_slice %arg4[%add3A_29, %dma_start3A_49] : memref<8192x768xf32, #tpu.memory_space<hbm>> -> memref<64x768xf32, #tpu.memory_space<hbm>>
      %dma_start3A_51 = arith.constant 0 : i32
      %dma_start3A_52 = tpu.memref_slice %arg4[%add3A_29, %dma_start3A_51] : memref<8192x768xf32, #tpu.memory_space<hbm>> -> memref<64x768xf32, #tpu.memory_space<hbm>>
      tpu.enqueue_dma source(%arg7 : memref<64x768xf32, #tpu.memory_space<vmem>>) target(%dma_start3A_52 : memref<64x768xf32, #tpu.memory_space<hbm>>) target_semaphore(%run_scoped3A : memref<!tpu.dma_semaphore, #tpu.memory_space<semaphore_mem>>)
      %dma_wait3A_53 = arith.constant 0 : i32
      %dma_wait3A_54 = tpu.memref_slice %arg4[%add3A_29, %dma_wait3A_53] : memref<8192x768xf32, #tpu.memory_space<hbm>> -> memref<64x768xf32, #tpu.memory_space<hbm>>
      %dma_wait3A_55 = arith.constant 0 : i32
      %dma_wait3A_56 = tpu.memref_slice %arg4[%add3A_29, %dma_wait3A_55] : memref<8192x768xf32, #tpu.memory_space<hbm>> -> memref<64x768xf32, #tpu.memory_space<hbm>>
      tpu.wait_dma2 semaphore(%run_scoped3A : memref<!tpu.dma_semaphore, #tpu.memory_space<semaphore_mem>>) src(%arg7 : memref<64x768xf32, #tpu.memory_space<vmem>>) dst(%dma_wait3A_56 : memref<64x768xf32, #tpu.memory_space<hbm>>)
      tpu.yield
    }) : () -> ()
    %dma_start3A_30 = arith.constant 192 : i32
    %dma_start3A_31 = tpu.memref_slice %arg5[%dma_start3A_30] : memref<256xi32, #tpu.memory_space<vmem>> -> memref<64xi32, #tpu.memory_space<vmem>>
    %dma_start3A_32 = arith.constant 0 : i32
    %dma_start3A_33 = arith.constant 0 : i32
    %dma_start3A_34 = tpu.memref_slice %arg3[%dma_start3A_32, %dma_start3A_33] : memref<100000x768xf32, #tpu.memory_space<hbm>> -> memref<100000x768xf32, #tpu.memory_space<hbm>>
    tpu.enqueue_indirect_dma source(%dma_start3A_34 : memref<100000x768xf32, #tpu.memory_space<hbm>>) target(%arg7 : memref<64x768xf32, #tpu.memory_space<vmem>>) offsets(%dma_start3A_31 : memref<64xi32, #tpu.memory_space<vmem>>) semaphore(%arg9 : memref<!tpu.dma_semaphore, #tpu.memory_space<semaphore_mem>>)
    %dma_wait3A_35 = arith.constant 128 : i32
    %dma_wait3A_36 = tpu.memref_slice %arg5[%dma_wait3A_35] : memref<256xi32, #tpu.memory_space<vmem>> -> memref<64xi32, #tpu.memory_space<vmem>>
    %dma_wait3A_37 = arith.constant 0 : i32
    %dma_wait3A_38 = arith.constant 0 : i32
    %dma_wait3A_39 = tpu.memref_slice %arg3[%dma_wait3A_37, %dma_wait3A_38] : memref<100000x768xf32, #tpu.memory_space<hbm>> -> memref<100000x768xf32, #tpu.memory_space<hbm>>
    tpu.wait_indirect_dma semaphore(%arg8 : memref<!tpu.dma_semaphore, #tpu.memory_space<semaphore_mem>>) src(%dma_wait3A_39 : memref<100000x768xf32, #tpu.memory_space<hbm>>) dst(%arg6 : memref<64x768xf32, #tpu.memory_space<vmem>>)
    %add3A_40 = arith.constant 128 : i32
    %add3A_41 = arith.addi %mul3A_2, %add3A_40 : i32
    "tpu.region"() ({
      %run_scoped3A = tpu.sem_alloc : memref<!tpu.dma_semaphore, #tpu.memory_space<semaphore_mem>>
      %dma_start3A_49 = arith.constant 0 : i32
      %dma_start3A_50 = tpu.memref_slice %arg4[%add3A_41, %dma_start3A_49] : memref<8192x768xf32, #tpu.memory_space<hbm>> -> memref<64x768xf32, #tpu.memory_space<hbm>>
      %dma_start3A_51 = arith.constant 0 : i32
      %dma_start3A_52 = tpu.memref_slice %arg4[%add3A_41, %dma_start3A_51] : memref<8192x768xf32, #tpu.memory_space<hbm>> -> memref<64x768xf32, #tpu.memory_space<hbm>>
      tpu.enqueue_dma source(%arg6 : memref<64x768xf32, #tpu.memory_space<vmem>>) target(%dma_start3A_52 : memref<64x768xf32, #tpu.memory_space<hbm>>) target_semaphore(%run_scoped3A : memref<!tpu.dma_semaphore, #tpu.memory_space<semaphore_mem>>)
      %dma_wait3A_53 = arith.constant 0 : i32
      %dma_wait3A_54 = tpu.memref_slice %arg4[%add3A_41, %dma_wait3A_53] : memref<8192x768xf32, #tpu.memory_space<hbm>> -> memref<64x768xf32, #tpu.memory_space<hbm>>
      %dma_wait3A_55 = arith.constant 0 : i32
      %dma_wait3A_56 = tpu.memref_slice %arg4[%add3A_41, %dma_wait3A_55] : memref<8192x768xf32, #tpu.memory_space<hbm>> -> memref<64x768xf32, #tpu.memory_space<hbm>>
      tpu.wait_dma2 semaphore(%run_scoped3A : memref<!tpu.dma_semaphore, #tpu.memory_space<semaphore_mem>>) src(%arg6 : memref<64x768xf32, #tpu.memory_space<vmem>>) dst(%dma_wait3A_56 : memref<64x768xf32, #tpu.memory_space<hbm>>)
      tpu.yield
    }) : () -> ()
    %dma_wait3A_42 = arith.constant 192 : i32
    %dma_wait3A_43 = tpu.memref_slice %arg5[%dma_wait3A_42] : memref<256xi32, #tpu.memory_space<vmem>> -> memref<64xi32, #tpu.memory_space<vmem>>
    %dma_wait3A_44 = arith.constant 0 : i32
    %dma_wait3A_45 = arith.constant 0 : i32
    %dma_wait3A_46 = tpu.memref_slice %arg3[%dma_wait3A_44, %dma_wait3A_45] : memref<100000x768xf32, #tpu.memory_space<hbm>> -> memref<100000x768xf32, #tpu.memory_space<hbm>>
    tpu.wait_indirect_dma semaphore(%arg9 : memref<!tpu.dma_semaphore, #tpu.memory_space<semaphore_mem>>) src(%dma_wait3A_46 : memref<100000x768xf32, #tpu.memory_space<hbm>>) dst(%arg7 : memref<64x768xf32, #tpu.memory_space<vmem>>)
    %add3A_47 = arith.constant 192 : i32
    %add3A_48 = arith.addi %mul3A_2, %add3A_47 : i32
    "tpu.region"() ({
      %run_scoped3A = tpu.sem_alloc : memref<!tpu.dma_semaphore, #tpu.memory_space<semaphore_mem>>
      %dma_start3A_49 = arith.constant 0 : i32
      %dma_start3A_50 = tpu.memref_slice %arg4[%add3A_48, %dma_start3A_49] : memref<8192x768xf32, #tpu.memory_space<hbm>> -> memref<64x768xf32, #tpu.memory_space<hbm>>
      %dma_start3A_51 = arith.constant 0 : i32
      %dma_start3A_52 = tpu.memref_slice %arg4[%add3A_48, %dma_start3A_51] : memref<8192x768xf32, #tpu.memory_space<hbm>> -> memref<64x768xf32, #tpu.memory_space<hbm>>
      tpu.enqueue_dma source(%arg7 : memref<64x768xf32, #tpu.memory_space<vmem>>) target(%dma_start3A_52 : memref<64x768xf32, #tpu.memory_space<hbm>>) target_semaphore(%run_scoped3A : memref<!tpu.dma_semaphore, #tpu.memory_space<semaphore_mem>>)
      %dma_wait3A_53 = arith.constant 0 : i32
      %dma_wait3A_54 = tpu.memref_slice %arg4[%add3A_48, %dma_wait3A_53] : memref<8192x768xf32, #tpu.memory_space<hbm>> -> memref<64x768xf32, #tpu.memory_space<hbm>>
      %dma_wait3A_55 = arith.constant 0 : i32
      %dma_wait3A_56 = tpu.memref_slice %arg4[%add3A_48, %dma_wait3A_55] : memref<8192x768xf32, #tpu.memory_space<hbm>> -> memref<64x768xf32, #tpu.memory_space<hbm>>
      tpu.wait_dma2 semaphore(%run_scoped3A : memref<!tpu.dma_semaphore, #tpu.memory_space<semaphore_mem>>) src(%arg7 : memref<64x768xf32, #tpu.memory_space<vmem>>) dst(%dma_wait3A_56 : memref<64x768xf32, #tpu.memory_space<hbm>>)
      tpu.yield
    }) : () -> ()
    return
  }
}

module attributes {stable_mosaic.version = 14 : i64} {
  func.func @_segsel_body(%arg0: i32, %arg1: memref<6272x256xf32, #tpu.memory_space<vmem>>, %arg2: memref<256x16xi32, #tpu.memory_space<vmem>>) attributes {dimension_semantics = [#tpu.dimension_semantics<arbitrary>], iteration_bounds = array<i64: 4>, scalar_prefetch = 0 : i64, scratch_operands = 0 : i64, tpu.core_type = #tpu.core_type<tc>, window_params = [{transform_indices = @transform_0, window_bounds = array<i64: 6272, 256>}, {transform_indices = @transform_1, window_bounds = array<i64: 256, 16>}]} {
    %get3A = arith.constant 0 : index
    %get3A_0 = arith.constant 0 : index
    %get3A_1 = vector.load %arg1[%get3A, %get3A_0] : memref<6272x256xf32, #tpu.memory_space<vmem>>, vector<6272x256xf32>
    %iota3A = tpu.iota {dimensions = array<i32: 0>} : vector<6272x256xi32>
    %reduce_min3A = arith.constant dense<0x7F800000> : vector<256xf32>
    %reduce_min3A_2 = vector.multi_reduction <minimumf>, %get3A_1, %reduce_min3A [0] : vector<6272x256xf32> to vector<256xf32>
    %broadcast_in_dim3A = vector.shape_cast %reduce_min3A_2 : vector<256xf32> to vector<1x256xf32>
    %eq3A = vector.broadcast %broadcast_in_dim3A : vector<1x256xf32> to vector<6272x256xf32>
    %eq3A_3 = arith.cmpf oeq, %get3A_1, %eq3A : vector<6272x256xf32>
    %jit3A = arith.constant 1073741824 : i32
    %broadcast_in_dim3A_4 = vector.broadcast %jit3A : i32 to vector<6272x256xi32>
    %select_n3A = arith.select %eq3A_3, %iota3A, %broadcast_in_dim3A_4 : vector<6272x256xi1>, vector<6272x256xi32>
    %reduce_min3A_5 = arith.constant dense<2147483647> : vector<256xi32>
    %reduce_min3A_6 = vector.multi_reduction <minsi>, %select_n3A, %reduce_min3A_5 [0] : vector<6272x256xi32> to vector<256xi32>
    %broadcast_in_dim3A_7 = vector.shape_cast %reduce_min3A_6 : vector<256xi32> to vector<1x256xi32>
    %squeeze3A = vector.shape_cast %broadcast_in_dim3A_7 : vector<1x256xi32> to vector<256xi32>
    %eq3A_8 = vector.broadcast %broadcast_in_dim3A_7 : vector<1x256xi32> to vector<6272x256xi32>
    %eq3A_9 = arith.cmpi eq, %iota3A, %eq3A_8 : vector<6272x256xi32>
    %jit3A_10 = arith.constant 0x7F800000 : f32
    %broadcast_in_dim3A_11 = vector.broadcast %jit3A_10 : f32 to vector<6272x256xf32>
    %select_n3A_12 = arith.select %eq3A_9, %broadcast_in_dim3A_11, %get3A_1 : vector<6272x256xi1>, vector<6272x256xf32>
    %reduce_min3A_13 = arith.constant dense<0x7F800000> : vector<256xf32>
    %reduce_min3A_14 = vector.multi_reduction <minimumf>, %select_n3A_12, %reduce_min3A_13 [0] : vector<6272x256xf32> to vector<256xf32>
    %broadcast_in_dim3A_15 = vector.shape_cast %reduce_min3A_14 : vector<256xf32> to vector<1x256xf32>
    %eq3A_16 = vector.broadcast %broadcast_in_dim3A_15 : vector<1x256xf32> to vector<6272x256xf32>
    %eq3A_17 = arith.cmpf oeq, %select_n3A_12, %eq3A_16 : vector<6272x256xf32>
    %jit3A_18 = arith.constant 1073741824 : i32
    %broadcast_in_dim3A_19 = vector.broadcast %jit3A_18 : i32 to vector<6272x256xi32>
    %select_n3A_20 = arith.select %eq3A_17, %iota3A, %broadcast_in_dim3A_19 : vector<6272x256xi1>, vector<6272x256xi32>
    %reduce_min3A_21 = arith.constant dense<2147483647> : vector<256xi32>
    %reduce_min3A_22 = vector.multi_reduction <minsi>, %select_n3A_20, %reduce_min3A_21 [0] : vector<6272x256xi32> to vector<256xi32>
    %broadcast_in_dim3A_23 = vector.shape_cast %reduce_min3A_22 : vector<256xi32> to vector<1x256xi32>
    %squeeze3A_24 = vector.shape_cast %broadcast_in_dim3A_23 : vector<1x256xi32> to vector<256xi32>
    %eq3A_25 = vector.broadcast %broadcast_in_dim3A_23 : vector<1x256xi32> to vector<6272x256xi32>
    %eq3A_26 = arith.cmpi eq, %iota3A, %eq3A_25 : vector<6272x256xi32>
    %jit3A_27 = arith.constant 0x7F800000 : f32
    %broadcast_in_dim3A_28 = vector.broadcast %jit3A_27 : f32 to vector<6272x256xf32>
    %select_n3A_29 = arith.select %eq3A_26, %broadcast_in_dim3A_28, %select_n3A_12 : vector<6272x256xi1>, vector<6272x256xf32>
    %reduce_min3A_30 = arith.constant dense<0x7F800000> : vector<256xf32>
    %reduce_min3A_31 = vector.multi_reduction <minimumf>, %select_n3A_29, %reduce_min3A_30 [0] : vector<6272x256xf32> to vector<256xf32>
    %broadcast_in_dim3A_32 = vector.shape_cast %reduce_min3A_31 : vector<256xf32> to vector<1x256xf32>
    %eq3A_33 = vector.broadcast %broadcast_in_dim3A_32 : vector<1x256xf32> to vector<6272x256xf32>
    %eq3A_34 = arith.cmpf oeq, %select_n3A_29, %eq3A_33 : vector<6272x256xf32>
    %jit3A_35 = arith.constant 1073741824 : i32
    %broadcast_in_dim3A_36 = vector.broadcast %jit3A_35 : i32 to vector<6272x256xi32>
    %select_n3A_37 = arith.select %eq3A_34, %iota3A, %broadcast_in_dim3A_36 : vector<6272x256xi1>, vector<6272x256xi32>
    %reduce_min3A_38 = arith.constant dense<2147483647> : vector<256xi32>
    %reduce_min3A_39 = vector.multi_reduction <minsi>, %select_n3A_37, %reduce_min3A_38 [0] : vector<6272x256xi32> to vector<256xi32>
    %broadcast_in_dim3A_40 = vector.shape_cast %reduce_min3A_39 : vector<256xi32> to vector<1x256xi32>
    %squeeze3A_41 = vector.shape_cast %broadcast_in_dim3A_40 : vector<1x256xi32> to vector<256xi32>
    %eq3A_42 = vector.broadcast %broadcast_in_dim3A_40 : vector<1x256xi32> to vector<6272x256xi32>
    %eq3A_43 = arith.cmpi eq, %iota3A, %eq3A_42 : vector<6272x256xi32>
    %jit3A_44 = arith.constant 0x7F800000 : f32
    %broadcast_in_dim3A_45 = vector.broadcast %jit3A_44 : f32 to vector<6272x256xf32>
    %select_n3A_46 = arith.select %eq3A_43, %broadcast_in_dim3A_45, %select_n3A_29 : vector<6272x256xi1>, vector<6272x256xf32>
    %reduce_min3A_47 = arith.constant dense<0x7F800000> : vector<256xf32>
    %reduce_min3A_48 = vector.multi_reduction <minimumf>, %select_n3A_46, %reduce_min3A_47 [0] : vector<6272x256xf32> to vector<256xf32>
    %broadcast_in_dim3A_49 = vector.shape_cast %reduce_min3A_48 : vector<256xf32> to vector<1x256xf32>
    %eq3A_50 = vector.broadcast %broadcast_in_dim3A_49 : vector<1x256xf32> to vector<6272x256xf32>
    %eq3A_51 = arith.cmpf oeq, %select_n3A_46, %eq3A_50 : vector<6272x256xf32>
    %jit3A_52 = arith.constant 1073741824 : i32
    %broadcast_in_dim3A_53 = vector.broadcast %jit3A_52 : i32 to vector<6272x256xi32>
    %select_n3A_54 = arith.select %eq3A_51, %iota3A, %broadcast_in_dim3A_53 : vector<6272x256xi1>, vector<6272x256xi32>
    %reduce_min3A_55 = arith.constant dense<2147483647> : vector<256xi32>
    %reduce_min3A_56 = vector.multi_reduction <minsi>, %select_n3A_54, %reduce_min3A_55 [0] : vector<6272x256xi32> to vector<256xi32>
    %broadcast_in_dim3A_57 = vector.shape_cast %reduce_min3A_56 : vector<256xi32> to vector<1x256xi32>
    %squeeze3A_58 = vector.shape_cast %broadcast_in_dim3A_57 : vector<1x256xi32> to vector<256xi32>
    %eq3A_59 = vector.broadcast %broadcast_in_dim3A_57 : vector<1x256xi32> to vector<6272x256xi32>
    %eq3A_60 = arith.cmpi eq, %iota3A, %eq3A_59 : vector<6272x256xi32>
    %jit3A_61 = arith.constant 0x7F800000 : f32
    %broadcast_in_dim3A_62 = vector.broadcast %jit3A_61 : f32 to vector<6272x256xf32>
    %select_n3A_63 = arith.select %eq3A_60, %broadcast_in_dim3A_62, %select_n3A_46 : vector<6272x256xi1>, vector<6272x256xf32>
    %reduce_min3A_64 = arith.constant dense<0x7F800000> : vector<256xf32>
    %reduce_min3A_65 = vector.multi_reduction <minimumf>, %select_n3A_63, %reduce_min3A_64 [0] : vector<6272x256xf32> to vector<256xf32>
    %broadcast_in_dim3A_66 = vector.shape_cast %reduce_min3A_65 : vector<256xf32> to vector<1x256xf32>
    %eq3A_67 = vector.broadcast %broadcast_in_dim3A_66 : vector<1x256xf32> to vector<6272x256xf32>
    %eq3A_68 = arith.cmpf oeq, %select_n3A_63, %eq3A_67 : vector<6272x256xf32>
    %jit3A_69 = arith.constant 1073741824 : i32
    %broadcast_in_dim3A_70 = vector.broadcast %jit3A_69 : i32 to vector<6272x256xi32>
    %select_n3A_71 = arith.select %eq3A_68, %iota3A, %broadcast_in_dim3A_70 : vector<6272x256xi1>, vector<6272x256xi32>
    %reduce_min3A_72 = arith.constant dense<2147483647> : vector<256xi32>
    %reduce_min3A_73 = vector.multi_reduction <minsi>, %select_n3A_71, %reduce_min3A_72 [0] : vector<6272x256xi32> to vector<256xi32>
    %broadcast_in_dim3A_74 = vector.shape_cast %reduce_min3A_73 : vector<256xi32> to vector<1x256xi32>
    %squeeze3A_75 = vector.shape_cast %broadcast_in_dim3A_74 : vector<1x256xi32> to vector<256xi32>
    %eq3A_76 = vector.broadcast %broadcast_in_dim3A_74 : vector<1x256xi32> to vector<6272x256xi32>
    %eq3A_77 = arith.cmpi eq, %iota3A, %eq3A_76 : vector<6272x256xi32>
    %jit3A_78 = arith.constant 0x7F800000 : f32
    %broadcast_in_dim3A_79 = vector.broadcast %jit3A_78 : f32 to vector<6272x256xf32>
    %select_n3A_80 = arith.select %eq3A_77, %broadcast_in_dim3A_79, %select_n3A_63 : vector<6272x256xi1>, vector<6272x256xf32>
    %reduce_min3A_81 = arith.constant dense<0x7F800000> : vector<256xf32>
    %reduce_min3A_82 = vector.multi_reduction <minimumf>, %select_n3A_80, %reduce_min3A_81 [0] : vector<6272x256xf32> to vector<256xf32>
    %broadcast_in_dim3A_83 = vector.shape_cast %reduce_min3A_82 : vector<256xf32> to vector<1x256xf32>
    %eq3A_84 = vector.broadcast %broadcast_in_dim3A_83 : vector<1x256xf32> to vector<6272x256xf32>
    %eq3A_85 = arith.cmpf oeq, %select_n3A_80, %eq3A_84 : vector<6272x256xf32>
    %jit3A_86 = arith.constant 1073741824 : i32
    %broadcast_in_dim3A_87 = vector.broadcast %jit3A_86 : i32 to vector<6272x256xi32>
    %select_n3A_88 = arith.select %eq3A_85, %iota3A, %broadcast_in_dim3A_87 : vector<6272x256xi1>, vector<6272x256xi32>
    %reduce_min3A_89 = arith.constant dense<2147483647> : vector<256xi32>
    %reduce_min3A_90 = vector.multi_reduction <minsi>, %select_n3A_88, %reduce_min3A_89 [0] : vector<6272x256xi32> to vector<256xi32>
    %broadcast_in_dim3A_91 = vector.shape_cast %reduce_min3A_90 : vector<256xi32> to vector<1x256xi32>
    %squeeze3A_92 = vector.shape_cast %broadcast_in_dim3A_91 : vector<1x256xi32> to vector<256xi32>
    %eq3A_93 = vector.broadcast %broadcast_in_dim3A_91 : vector<1x256xi32> to vector<6272x256xi32>
    %eq3A_94 = arith.cmpi eq, %iota3A, %eq3A_93 : vector<6272x256xi32>
    %jit3A_95 = arith.constant 0x7F800000 : f32
    %broadcast_in_dim3A_96 = vector.broadcast %jit3A_95 : f32 to vector<6272x256xf32>
    %select_n3A_97 = arith.select %eq3A_94, %broadcast_in_dim3A_96, %select_n3A_80 : vector<6272x256xi1>, vector<6272x256xf32>
    %reduce_min3A_98 = arith.constant dense<0x7F800000> : vector<256xf32>
    %reduce_min3A_99 = vector.multi_reduction <minimumf>, %select_n3A_97, %reduce_min3A_98 [0] : vector<6272x256xf32> to vector<256xf32>
    %broadcast_in_dim3A_100 = vector.shape_cast %reduce_min3A_99 : vector<256xf32> to vector<1x256xf32>
    %eq3A_101 = vector.broadcast %broadcast_in_dim3A_100 : vector<1x256xf32> to vector<6272x256xf32>
    %eq3A_102 = arith.cmpf oeq, %select_n3A_97, %eq3A_101 : vector<6272x256xf32>
    %jit3A_103 = arith.constant 1073741824 : i32
    %broadcast_in_dim3A_104 = vector.broadcast %jit3A_103 : i32 to vector<6272x256xi32>
    %select_n3A_105 = arith.select %eq3A_102, %iota3A, %broadcast_in_dim3A_104 : vector<6272x256xi1>, vector<6272x256xi32>
    %reduce_min3A_106 = arith.constant dense<2147483647> : vector<256xi32>
    %reduce_min3A_107 = vector.multi_reduction <minsi>, %select_n3A_105, %reduce_min3A_106 [0] : vector<6272x256xi32> to vector<256xi32>
    %broadcast_in_dim3A_108 = vector.shape_cast %reduce_min3A_107 : vector<256xi32> to vector<1x256xi32>
    %squeeze3A_109 = vector.shape_cast %broadcast_in_dim3A_108 : vector<1x256xi32> to vector<256xi32>
    %eq3A_110 = vector.broadcast %broadcast_in_dim3A_108 : vector<1x256xi32> to vector<6272x256xi32>
    %eq3A_111 = arith.cmpi eq, %iota3A, %eq3A_110 : vector<6272x256xi32>
    %jit3A_112 = arith.constant 0x7F800000 : f32
    %broadcast_in_dim3A_113 = vector.broadcast %jit3A_112 : f32 to vector<6272x256xf32>
    %select_n3A_114 = arith.select %eq3A_111, %broadcast_in_dim3A_113, %select_n3A_97 : vector<6272x256xi1>, vector<6272x256xf32>
    %reduce_min3A_115 = arith.constant dense<0x7F800000> : vector<256xf32>
    %reduce_min3A_116 = vector.multi_reduction <minimumf>, %select_n3A_114, %reduce_min3A_115 [0] : vector<6272x256xf32> to vector<256xf32>
    %broadcast_in_dim3A_117 = vector.shape_cast %reduce_min3A_116 : vector<256xf32> to vector<1x256xf32>
    %eq3A_118 = vector.broadcast %broadcast_in_dim3A_117 : vector<1x256xf32> to vector<6272x256xf32>
    %eq3A_119 = arith.cmpf oeq, %select_n3A_114, %eq3A_118 : vector<6272x256xf32>
    %jit3A_120 = arith.constant 1073741824 : i32
    %broadcast_in_dim3A_121 = vector.broadcast %jit3A_120 : i32 to vector<6272x256xi32>
    %select_n3A_122 = arith.select %eq3A_119, %iota3A, %broadcast_in_dim3A_121 : vector<6272x256xi1>, vector<6272x256xi32>
    %reduce_min3A_123 = arith.constant dense<2147483647> : vector<256xi32>
    %reduce_min3A_124 = vector.multi_reduction <minsi>, %select_n3A_122, %reduce_min3A_123 [0] : vector<6272x256xi32> to vector<256xi32>
    %broadcast_in_dim3A_125 = vector.shape_cast %reduce_min3A_124 : vector<256xi32> to vector<1x256xi32>
    %squeeze3A_126 = vector.shape_cast %broadcast_in_dim3A_125 : vector<1x256xi32> to vector<256xi32>
    %eq3A_127 = vector.broadcast %broadcast_in_dim3A_125 : vector<1x256xi32> to vector<6272x256xi32>
    %eq3A_128 = arith.cmpi eq, %iota3A, %eq3A_127 : vector<6272x256xi32>
    %jit3A_129 = arith.constant 0x7F800000 : f32
    %broadcast_in_dim3A_130 = vector.broadcast %jit3A_129 : f32 to vector<6272x256xf32>
    %select_n3A_131 = arith.select %eq3A_128, %broadcast_in_dim3A_130, %select_n3A_114 : vector<6272x256xi1>, vector<6272x256xf32>
    %reduce_min3A_132 = arith.constant dense<0x7F800000> : vector<256xf32>
    %reduce_min3A_133 = vector.multi_reduction <minimumf>, %select_n3A_131, %reduce_min3A_132 [0] : vector<6272x256xf32> to vector<256xf32>
    %broadcast_in_dim3A_134 = vector.shape_cast %reduce_min3A_133 : vector<256xf32> to vector<1x256xf32>
    %eq3A_135 = vector.broadcast %broadcast_in_dim3A_134 : vector<1x256xf32> to vector<6272x256xf32>
    %eq3A_136 = arith.cmpf oeq, %select_n3A_131, %eq3A_135 : vector<6272x256xf32>
    %jit3A_137 = arith.constant 1073741824 : i32
    %broadcast_in_dim3A_138 = vector.broadcast %jit3A_137 : i32 to vector<6272x256xi32>
    %select_n3A_139 = arith.select %eq3A_136, %iota3A, %broadcast_in_dim3A_138 : vector<6272x256xi1>, vector<6272x256xi32>
    %reduce_min3A_140 = arith.constant dense<2147483647> : vector<256xi32>
    %reduce_min3A_141 = vector.multi_reduction <minsi>, %select_n3A_139, %reduce_min3A_140 [0] : vector<6272x256xi32> to vector<256xi32>
    %broadcast_in_dim3A_142 = vector.shape_cast %reduce_min3A_141 : vector<256xi32> to vector<1x256xi32>
    %squeeze3A_143 = vector.shape_cast %broadcast_in_dim3A_142 : vector<1x256xi32> to vector<256xi32>
    %eq3A_144 = vector.broadcast %broadcast_in_dim3A_142 : vector<1x256xi32> to vector<6272x256xi32>
    %eq3A_145 = arith.cmpi eq, %iota3A, %eq3A_144 : vector<6272x256xi32>
    %jit3A_146 = arith.constant 0x7F800000 : f32
    %broadcast_in_dim3A_147 = vector.broadcast %jit3A_146 : f32 to vector<6272x256xf32>
    %select_n3A_148 = arith.select %eq3A_145, %broadcast_in_dim3A_147, %select_n3A_131 : vector<6272x256xi1>, vector<6272x256xf32>
    %reduce_min3A_149 = arith.constant dense<0x7F800000> : vector<256xf32>
    %reduce_min3A_150 = vector.multi_reduction <minimumf>, %select_n3A_148, %reduce_min3A_149 [0] : vector<6272x256xf32> to vector<256xf32>
    %broadcast_in_dim3A_151 = vector.shape_cast %reduce_min3A_150 : vector<256xf32> to vector<1x256xf32>
    %eq3A_152 = vector.broadcast %broadcast_in_dim3A_151 : vector<1x256xf32> to vector<6272x256xf32>
    %eq3A_153 = arith.cmpf oeq, %select_n3A_148, %eq3A_152 : vector<6272x256xf32>
    %jit3A_154 = arith.constant 1073741824 : i32
    %broadcast_in_dim3A_155 = vector.broadcast %jit3A_154 : i32 to vector<6272x256xi32>
    %select_n3A_156 = arith.select %eq3A_153, %iota3A, %broadcast_in_dim3A_155 : vector<6272x256xi1>, vector<6272x256xi32>
    %reduce_min3A_157 = arith.constant dense<2147483647> : vector<256xi32>
    %reduce_min3A_158 = vector.multi_reduction <minsi>, %select_n3A_156, %reduce_min3A_157 [0] : vector<6272x256xi32> to vector<256xi32>
    %broadcast_in_dim3A_159 = vector.shape_cast %reduce_min3A_158 : vector<256xi32> to vector<1x256xi32>
    %squeeze3A_160 = vector.shape_cast %broadcast_in_dim3A_159 : vector<1x256xi32> to vector<256xi32>
    %eq3A_161 = vector.broadcast %broadcast_in_dim3A_159 : vector<1x256xi32> to vector<6272x256xi32>
    %eq3A_162 = arith.cmpi eq, %iota3A, %eq3A_161 : vector<6272x256xi32>
    %jit3A_163 = arith.constant 0x7F800000 : f32
    %broadcast_in_dim3A_164 = vector.broadcast %jit3A_163 : f32 to vector<6272x256xf32>
    %select_n3A_165 = arith.select %eq3A_162, %broadcast_in_dim3A_164, %select_n3A_148 : vector<6272x256xi1>, vector<6272x256xf32>
    %reduce_min3A_166 = arith.constant dense<0x7F800000> : vector<256xf32>
    %reduce_min3A_167 = vector.multi_reduction <minimumf>, %select_n3A_165, %reduce_min3A_166 [0] : vector<6272x256xf32> to vector<256xf32>
    %broadcast_in_dim3A_168 = vector.shape_cast %reduce_min3A_167 : vector<256xf32> to vector<1x256xf32>
    %eq3A_169 = vector.broadcast %broadcast_in_dim3A_168 : vector<1x256xf32> to vector<6272x256xf32>
    %eq3A_170 = arith.cmpf oeq, %select_n3A_165, %eq3A_169 : vector<6272x256xf32>
    %jit3A_171 = arith.constant 1073741824 : i32
    %broadcast_in_dim3A_172 = vector.broadcast %jit3A_171 : i32 to vector<6272x256xi32>
    %select_n3A_173 = arith.select %eq3A_170, %iota3A, %broadcast_in_dim3A_172 : vector<6272x256xi1>, vector<6272x256xi32>
    %reduce_min3A_174 = arith.constant dense<2147483647> : vector<256xi32>
    %reduce_min3A_175 = vector.multi_reduction <minsi>, %select_n3A_173, %reduce_min3A_174 [0] : vector<6272x256xi32> to vector<256xi32>
    %broadcast_in_dim3A_176 = vector.shape_cast %reduce_min3A_175 : vector<256xi32> to vector<1x256xi32>
    %squeeze3A_177 = vector.shape_cast %broadcast_in_dim3A_176 : vector<1x256xi32> to vector<256xi32>
    %eq3A_178 = vector.broadcast %broadcast_in_dim3A_176 : vector<1x256xi32> to vector<6272x256xi32>
    %eq3A_179 = arith.cmpi eq, %iota3A, %eq3A_178 : vector<6272x256xi32>
    %jit3A_180 = arith.constant 0x7F800000 : f32
    %broadcast_in_dim3A_181 = vector.broadcast %jit3A_180 : f32 to vector<6272x256xf32>
    %select_n3A_182 = arith.select %eq3A_179, %broadcast_in_dim3A_181, %select_n3A_165 : vector<6272x256xi1>, vector<6272x256xf32>
    %reduce_min3A_183 = arith.constant dense<0x7F800000> : vector<256xf32>
    %reduce_min3A_184 = vector.multi_reduction <minimumf>, %select_n3A_182, %reduce_min3A_183 [0] : vector<6272x256xf32> to vector<256xf32>
    %broadcast_in_dim3A_185 = vector.shape_cast %reduce_min3A_184 : vector<256xf32> to vector<1x256xf32>
    %eq3A_186 = vector.broadcast %broadcast_in_dim3A_185 : vector<1x256xf32> to vector<6272x256xf32>
    %eq3A_187 = arith.cmpf oeq, %select_n3A_182, %eq3A_186 : vector<6272x256xf32>
    %jit3A_188 = arith.constant 1073741824 : i32
    %broadcast_in_dim3A_189 = vector.broadcast %jit3A_188 : i32 to vector<6272x256xi32>
    %select_n3A_190 = arith.select %eq3A_187, %iota3A, %broadcast_in_dim3A_189 : vector<6272x256xi1>, vector<6272x256xi32>
    %reduce_min3A_191 = arith.constant dense<2147483647> : vector<256xi32>
    %reduce_min3A_192 = vector.multi_reduction <minsi>, %select_n3A_190, %reduce_min3A_191 [0] : vector<6272x256xi32> to vector<256xi32>
    %broadcast_in_dim3A_193 = vector.shape_cast %reduce_min3A_192 : vector<256xi32> to vector<1x256xi32>
    %squeeze3A_194 = vector.shape_cast %broadcast_in_dim3A_193 : vector<1x256xi32> to vector<256xi32>
    %eq3A_195 = vector.broadcast %broadcast_in_dim3A_193 : vector<1x256xi32> to vector<6272x256xi32>
    %eq3A_196 = arith.cmpi eq, %iota3A, %eq3A_195 : vector<6272x256xi32>
    %jit3A_197 = arith.constant 0x7F800000 : f32
    %broadcast_in_dim3A_198 = vector.broadcast %jit3A_197 : f32 to vector<6272x256xf32>
    %select_n3A_199 = arith.select %eq3A_196, %broadcast_in_dim3A_198, %select_n3A_182 : vector<6272x256xi1>, vector<6272x256xf32>
    %reduce_min3A_200 = arith.constant dense<0x7F800000> : vector<256xf32>
    %reduce_min3A_201 = vector.multi_reduction <minimumf>, %select_n3A_199, %reduce_min3A_200 [0] : vector<6272x256xf32> to vector<256xf32>
    %broadcast_in_dim3A_202 = vector.shape_cast %reduce_min3A_201 : vector<256xf32> to vector<1x256xf32>
    %eq3A_203 = vector.broadcast %broadcast_in_dim3A_202 : vector<1x256xf32> to vector<6272x256xf32>
    %eq3A_204 = arith.cmpf oeq, %select_n3A_199, %eq3A_203 : vector<6272x256xf32>
    %jit3A_205 = arith.constant 1073741824 : i32
    %broadcast_in_dim3A_206 = vector.broadcast %jit3A_205 : i32 to vector<6272x256xi32>
    %select_n3A_207 = arith.select %eq3A_204, %iota3A, %broadcast_in_dim3A_206 : vector<6272x256xi1>, vector<6272x256xi32>
    %reduce_min3A_208 = arith.constant dense<2147483647> : vector<256xi32>
    %reduce_min3A_209 = vector.multi_reduction <minsi>, %select_n3A_207, %reduce_min3A_208 [0] : vector<6272x256xi32> to vector<256xi32>
    %broadcast_in_dim3A_210 = vector.shape_cast %reduce_min3A_209 : vector<256xi32> to vector<1x256xi32>
    %squeeze3A_211 = vector.shape_cast %broadcast_in_dim3A_210 : vector<1x256xi32> to vector<256xi32>
    %eq3A_212 = vector.broadcast %broadcast_in_dim3A_210 : vector<1x256xi32> to vector<6272x256xi32>
    %eq3A_213 = arith.cmpi eq, %iota3A, %eq3A_212 : vector<6272x256xi32>
    %jit3A_214 = arith.constant 0x7F800000 : f32
    %broadcast_in_dim3A_215 = vector.broadcast %jit3A_214 : f32 to vector<6272x256xf32>
    %select_n3A_216 = arith.select %eq3A_213, %broadcast_in_dim3A_215, %select_n3A_199 : vector<6272x256xi1>, vector<6272x256xf32>
    %reduce_min3A_217 = arith.constant dense<0x7F800000> : vector<256xf32>
    %reduce_min3A_218 = vector.multi_reduction <minimumf>, %select_n3A_216, %reduce_min3A_217 [0] : vector<6272x256xf32> to vector<256xf32>
    %broadcast_in_dim3A_219 = vector.shape_cast %reduce_min3A_218 : vector<256xf32> to vector<1x256xf32>
    %eq3A_220 = vector.broadcast %broadcast_in_dim3A_219 : vector<1x256xf32> to vector<6272x256xf32>
    %eq3A_221 = arith.cmpf oeq, %select_n3A_216, %eq3A_220 : vector<6272x256xf32>
    %jit3A_222 = arith.constant 1073741824 : i32
    %broadcast_in_dim3A_223 = vector.broadcast %jit3A_222 : i32 to vector<6272x256xi32>
    %select_n3A_224 = arith.select %eq3A_221, %iota3A, %broadcast_in_dim3A_223 : vector<6272x256xi1>, vector<6272x256xi32>
    %reduce_min3A_225 = arith.constant dense<2147483647> : vector<256xi32>
    %reduce_min3A_226 = vector.multi_reduction <minsi>, %select_n3A_224, %reduce_min3A_225 [0] : vector<6272x256xi32> to vector<256xi32>
    %broadcast_in_dim3A_227 = vector.shape_cast %reduce_min3A_226 : vector<256xi32> to vector<1x256xi32>
    %squeeze3A_228 = vector.shape_cast %broadcast_in_dim3A_227 : vector<1x256xi32> to vector<256xi32>
    %eq3A_229 = vector.broadcast %broadcast_in_dim3A_227 : vector<1x256xi32> to vector<6272x256xi32>
    %eq3A_230 = arith.cmpi eq, %iota3A, %eq3A_229 : vector<6272x256xi32>
    %jit3A_231 = arith.constant 0x7F800000 : f32
    %broadcast_in_dim3A_232 = vector.broadcast %jit3A_231 : f32 to vector<6272x256xf32>
    %select_n3A_233 = arith.select %eq3A_230, %broadcast_in_dim3A_232, %select_n3A_216 : vector<6272x256xi1>, vector<6272x256xf32>
    %reduce_min3A_234 = arith.constant dense<0x7F800000> : vector<256xf32>
    %reduce_min3A_235 = vector.multi_reduction <minimumf>, %select_n3A_233, %reduce_min3A_234 [0] : vector<6272x256xf32> to vector<256xf32>
    %broadcast_in_dim3A_236 = vector.shape_cast %reduce_min3A_235 : vector<256xf32> to vector<1x256xf32>
    %eq3A_237 = vector.broadcast %broadcast_in_dim3A_236 : vector<1x256xf32> to vector<6272x256xf32>
    %eq3A_238 = arith.cmpf oeq, %select_n3A_233, %eq3A_237 : vector<6272x256xf32>
    %jit3A_239 = arith.constant 1073741824 : i32
    %broadcast_in_dim3A_240 = vector.broadcast %jit3A_239 : i32 to vector<6272x256xi32>
    %select_n3A_241 = arith.select %eq3A_238, %iota3A, %broadcast_in_dim3A_240 : vector<6272x256xi1>, vector<6272x256xi32>
    %reduce_min3A_242 = arith.constant dense<2147483647> : vector<256xi32>
    %reduce_min3A_243 = vector.multi_reduction <minsi>, %select_n3A_241, %reduce_min3A_242 [0] : vector<6272x256xi32> to vector<256xi32>
    %broadcast_in_dim3A_244 = vector.shape_cast %reduce_min3A_243 : vector<256xi32> to vector<1x256xi32>
    %squeeze3A_245 = vector.shape_cast %broadcast_in_dim3A_244 : vector<1x256xi32> to vector<256xi32>
    %eq3A_246 = vector.broadcast %broadcast_in_dim3A_244 : vector<1x256xi32> to vector<6272x256xi32>
    %eq3A_247 = arith.cmpi eq, %iota3A, %eq3A_246 : vector<6272x256xi32>
    %jit3A_248 = arith.constant 0x7F800000 : f32
    %broadcast_in_dim3A_249 = vector.broadcast %jit3A_248 : f32 to vector<6272x256xf32>
    %select_n3A_250 = arith.select %eq3A_247, %broadcast_in_dim3A_249, %select_n3A_233 : vector<6272x256xi1>, vector<6272x256xf32>
    %reduce_min3A_251 = arith.constant dense<0x7F800000> : vector<256xf32>
    %reduce_min3A_252 = vector.multi_reduction <minimumf>, %select_n3A_250, %reduce_min3A_251 [0] : vector<6272x256xf32> to vector<256xf32>
    %broadcast_in_dim3A_253 = vector.shape_cast %reduce_min3A_252 : vector<256xf32> to vector<1x256xf32>
    %eq3A_254 = vector.broadcast %broadcast_in_dim3A_253 : vector<1x256xf32> to vector<6272x256xf32>
    %eq3A_255 = arith.cmpf oeq, %select_n3A_250, %eq3A_254 : vector<6272x256xf32>
    %jit3A_256 = arith.constant 1073741824 : i32
    %broadcast_in_dim3A_257 = vector.broadcast %jit3A_256 : i32 to vector<6272x256xi32>
    %select_n3A_258 = arith.select %eq3A_255, %iota3A, %broadcast_in_dim3A_257 : vector<6272x256xi1>, vector<6272x256xi32>
    %reduce_min3A_259 = arith.constant dense<2147483647> : vector<256xi32>
    %reduce_min3A_260 = vector.multi_reduction <minsi>, %select_n3A_258, %reduce_min3A_259 [0] : vector<6272x256xi32> to vector<256xi32>
    %broadcast_in_dim3A_261 = vector.shape_cast %reduce_min3A_260 : vector<256xi32> to vector<1x256xi32>
    %squeeze3A_262 = vector.shape_cast %broadcast_in_dim3A_261 : vector<1x256xi32> to vector<256xi32>
    %stack3A = vector.shape_cast %squeeze3A : vector<256xi32> to vector<1x256xi32>
    %stack3A_263 = vector.shape_cast %squeeze3A_24 : vector<256xi32> to vector<1x256xi32>
    %stack3A_264 = vector.shape_cast %squeeze3A_41 : vector<256xi32> to vector<1x256xi32>
    %stack3A_265 = vector.shape_cast %squeeze3A_58 : vector<256xi32> to vector<1x256xi32>
    %stack3A_266 = vector.shape_cast %squeeze3A_75 : vector<256xi32> to vector<1x256xi32>
    %stack3A_267 = vector.shape_cast %squeeze3A_92 : vector<256xi32> to vector<1x256xi32>
    %stack3A_268 = vector.shape_cast %squeeze3A_109 : vector<256xi32> to vector<1x256xi32>
    %stack3A_269 = vector.shape_cast %squeeze3A_126 : vector<256xi32> to vector<1x256xi32>
    %stack3A_270 = vector.shape_cast %squeeze3A_143 : vector<256xi32> to vector<1x256xi32>
    %stack3A_271 = vector.shape_cast %squeeze3A_160 : vector<256xi32> to vector<1x256xi32>
    %stack3A_272 = vector.shape_cast %squeeze3A_177 : vector<256xi32> to vector<1x256xi32>
    %stack3A_273 = vector.shape_cast %squeeze3A_194 : vector<256xi32> to vector<1x256xi32>
    %stack3A_274 = vector.shape_cast %squeeze3A_211 : vector<256xi32> to vector<1x256xi32>
    %stack3A_275 = vector.shape_cast %squeeze3A_228 : vector<256xi32> to vector<1x256xi32>
    %stack3A_276 = vector.shape_cast %squeeze3A_245 : vector<256xi32> to vector<1x256xi32>
    %stack3A_277 = vector.shape_cast %squeeze3A_262 : vector<256xi32> to vector<1x256xi32>
    %stack3A_278 = tpu.concatenate %stack3A, %stack3A_263, %stack3A_264, %stack3A_265, %stack3A_266, %stack3A_267, %stack3A_268, %stack3A_269, %stack3A_270, %stack3A_271, %stack3A_272, %stack3A_273, %stack3A_274, %stack3A_275, %stack3A_276, %stack3A_277 in 0 : vector<1x256xi32>, vector<1x256xi32>, vector<1x256xi32>, vector<1x256xi32>, vector<1x256xi32>, vector<1x256xi32>, vector<1x256xi32>, vector<1x256xi32>, vector<1x256xi32>, vector<1x256xi32>, vector<1x256xi32>, vector<1x256xi32>, vector<1x256xi32>, vector<1x256xi32>, vector<1x256xi32>, vector<1x256xi32> -> vector<16x256xi32>
    %broadcast_in_dim3A_279 = vector.shape_cast %stack3A_278 : vector<16x256xi32> to vector<1x16x256xi32>
    %broadcast_in_dim3A_280 = vector.shape_cast %stack3A_278 : vector<16x256xi32> to vector<16x1x256xi32>
    %lt3A = vector.broadcast %broadcast_in_dim3A_279 : vector<1x16x256xi32> to vector<16x16x256xi32>
    %lt3A_281 = vector.broadcast %broadcast_in_dim3A_280 : vector<16x1x256xi32> to vector<16x16x256xi32>
    %lt3A_282 = arith.cmpi slt, %lt3A, %lt3A_281 : vector<16x16x256xi32>
    %convert_element_type3A = arith.extui %lt3A_282 : vector<16x16x256xi1> to vector<16x16x256xi32>
    %reduce_sum3A = arith.constant dense<0> : vector<16x256xi32>
    %reduce_sum3A_283 = vector.multi_reduction <add>, %convert_element_type3A, %reduce_sum3A [1] : vector<16x16x256xi32> to vector<16x256xi32>
    %iota3A_284 = tpu.iota {dimensions = array<i32: 0>} : vector<16x16x256xi32>
    %broadcast_in_dim3A_285 = vector.shape_cast %reduce_sum3A_283 : vector<16x256xi32> to vector<1x16x256xi32>
    %eq3A_286 = vector.broadcast %broadcast_in_dim3A_285 : vector<1x16x256xi32> to vector<16x16x256xi32>
    %eq3A_287 = arith.cmpi eq, %eq3A_286, %iota3A_284 : vector<16x16x256xi32>
    %broadcast_in_dim3A_288 = vector.shape_cast %stack3A_278 : vector<16x256xi32> to vector<1x16x256xi32>
    %jit3A_289 = arith.constant 0 : i32
    %broadcast_in_dim3A_290 = vector.shape_cast %broadcast_in_dim3A_288 : vector<1x16x256xi32> to vector<1x16x256xi32>
    %broadcast_in_dim3A_291 = vector.broadcast %broadcast_in_dim3A_290 : vector<1x16x256xi32> to vector<16x16x256xi32>
    %broadcast_in_dim3A_292 = vector.broadcast %jit3A_289 : i32 to vector<16x16x256xi32>
    %select_n3A_293 = arith.select %eq3A_287, %broadcast_in_dim3A_291, %broadcast_in_dim3A_292 : vector<16x16x256xi1>, vector<16x16x256xi32>
    %reduce_sum3A_294 = arith.constant dense<0> : vector<16x256xi32>
    %reduce_sum3A_295 = vector.multi_reduction <add>, %select_n3A_293, %reduce_sum3A_294 [1] : vector<16x16x256xi32> to vector<16x256xi32>
    %transpose3A = tpu.transpose %reduce_sum3A_295, [1, 0] : vector<16x256xi32> -> vector<256x16xi32>
    %swap3A = arith.constant 0 : index
    %swap3A_296 = arith.constant 0 : index
    %swap3A_297 = vector.load %arg2[%swap3A, %swap3A_296] : memref<256x16xi32, #tpu.memory_space<vmem>>, vector<256x16xi32>
    tpu.vector_store %arg2[%swap3A, %swap3A_296], %transpose3A {strides = array<i32>} : memref<256x16xi32, #tpu.memory_space<vmem>>, vector<256x16xi32>,
    return
  }
  func.func @transform_0(%arg0: i32) -> (i32, i32) {
    %c0_i32 = arith.constant 0 : i32
    %c0_i32_0 = arith.constant 0 : i32
    return %c0_i32, %arg0 : i32, i32
  }
  func.func @transform_1(%arg0: i32) -> (i32, i32) {
    %c0_i32 = arith.constant 0 : i32
    %c0_i32_0 = arith.constant 0 : i32
    return %arg0, %c0_i32 : i32, i32
  }
}

module attributes {stable_mosaic.version = 14 : i64} {
  func.func @_dist_body(%arg0: i32, %arg1: memref<1024x128xf32, #tpu.memory_space<vmem>>, %arg2: memref<2048x128xf32, #tpu.memory_space<vmem>>, %arg3: memref<1024x2048xf32, #tpu.memory_space<vmem>>, %arg4: memref<128x1024xf32, #tpu.memory_space<vmem>>, %arg5: memref<1x1024xf32, #tpu.memory_space<vmem>>) attributes {dimension_semantics = [#tpu.dimension_semantics<arbitrary>], iteration_bounds = array<i64: 49>, scalar_prefetch = 0 : i64, scratch_operands = 1 : i64, tpu.core_type = #tpu.core_type<tc>, window_params = [{pipeline_mode = #tpu.pipeline_mode<synchronous>, transform_indices = @transform_0, window_bounds = array<i64: 1024, 128>}, {transform_indices = @transform_1, window_bounds = array<i64: 2048, 128>}, {transform_indices = @transform_2, window_bounds = array<i64: 1024, 2048>}, {transform_indices = @transform_3, window_bounds = array<i64: 128, 1024>}]} {
    %eq3A = arith.constant 0 : i32
    %eq3A_0 = arith.cmpi eq, %arg0, %eq3A : i32
    %convert_element_type3A = arith.extui %eq3A_0 : i1 to i32
    %cond3A = arith.constant 0 : i32
    %cond3A_1 = arith.cmpi ne, %convert_element_type3A, %cond3A : i32
    scf.if %cond3A_1 {
      %get3A_42 = arith.constant 0 : index
      %get3A_43 = arith.constant 0 : index
      %get3A_44 = vector.load %arg1[%get3A_42, %get3A_43] : memref<1024x128xf32, #tpu.memory_space<vmem>>, vector<1024x128xf32>
      %get3A_45 = arith.constant 0 : index
      %get3A_46 = arith.constant 0 : index
      %get3A_47 = vector.load %arg1[%get3A_45, %get3A_46] : memref<1024x128xf32, #tpu.memory_space<vmem>>, vector<1024x128xf32>
      %mul3A_48 = arith.mulf %get3A_44, %get3A_47 : vector<1024x128xf32>
      %reduce_sum3A_49 = arith.constant dense<0.000000e+00> : vector<1024xf32>
      %reduce_sum3A_50 = vector.multi_reduction <add>, %mul3A_48, %reduce_sum3A_49 [1] : vector<1024x128xf32> to vector<1024xf32>
      %broadcast_in_dim3A_51 = vector.shape_cast %reduce_sum3A_50 : vector<1024xf32> to vector<1x1024xf32>
      %swap3A_52 = arith.constant 0 : index
      %swap3A_53 = arith.constant 0 : index
      %swap3A_54 = vector.load %arg5[%swap3A_52, %swap3A_53] : memref<1x1024xf32, #tpu.memory_space<vmem>>, vector<1x1024xf32>
      tpu.vector_store %arg5[%swap3A_52, %swap3A_53], %broadcast_in_dim3A_51 {strides = array<i32>} : memref<1x1024xf32, #tpu.memory_space<vmem>>, vector<1x1024xf32>,
    } else {
    }
    %get3A = arith.constant 0 : index
    %get3A_2 = arith.constant 0 : index
    %get3A_3 = vector.load %arg1[%get3A, %get3A_2] : memref<1024x128xf32, #tpu.memory_space<vmem>>, vector<1024x128xf32>
    %get3A_4 = arith.constant 0 : index
    %get3A_5 = arith.constant 0 : index
    %get3A_6 = vector.load %arg2[%get3A_4, %get3A_5] : memref<2048x128xf32, #tpu.memory_space<vmem>>, vector<2048x128xf32>
    %mul3A = arith.mulf %get3A_6, %get3A_6 : vector<2048x128xf32>
    %reduce_sum3A = arith.constant dense<0.000000e+00> : vector<2048xf32>
    %reduce_sum3A_7 = vector.multi_reduction <add>, %mul3A, %reduce_sum3A [1] : vector<2048x128xf32> to vector<2048xf32>
    %dot_general3A = arith.constant dense<0.000000e+00> : vector<1024x2048xf32>
    %dot_general3A_8 = tpu.matmul %get3A_3, %get3A_6, %dot_general3A {dimension_numbers = #tpu.dot_dimension_numbers<[1], [1], [0], [0], [0, 0, 1, 0], [], []>, transpose_lhs_hint = false} : vector<1024x128xf32>, vector<2048x128xf32>, vector<1024x2048xf32> -> vector<1024x2048xf32>
    %mul3A_9 = arith.mulf %get3A_3, %get3A_3 : vector<1024x128xf32>
    %reduce_sum3A_10 = arith.constant dense<0.000000e+00> : vector<1024xf32>
    %reduce_sum3A_11 = vector.multi_reduction <add>, %mul3A_9, %reduce_sum3A_10 [1] : vector<1024x128xf32> to vector<1024xf32>
    %broadcast_in_dim3A = vector.shape_cast %reduce_sum3A_11 : vector<1024xf32> to vector<1024x1xf32>
    %broadcast_in_dim3A_12 = vector.shape_cast %reduce_sum3A_7 : vector<2048xf32> to vector<1x2048xf32>
    %add3A = vector.broadcast %broadcast_in_dim3A : vector<1024x1xf32> to vector<1024x2048xf32>
    %add3A_13 = vector.broadcast %broadcast_in_dim3A_12 : vector<1x2048xf32> to vector<1024x2048xf32>
    %add3A_14 = arith.addf %add3A, %add3A_13 : vector<1024x2048xf32>
    %mul3A_15 = arith.constant 2.000000e+00 : f32
    %mul3A_16 = vector.broadcast %mul3A_15 : f32 to vector<1024x2048xf32>
    %mul3A_17 = arith.mulf %mul3A_16, %dot_general3A_8 : vector<1024x2048xf32>
    %sub3A = arith.subf %add3A_14, %mul3A_17 : vector<1024x2048xf32>
    %max3A = arith.constant 0.000000e+00 : f32
    %max3A_18 = vector.broadcast %max3A : f32 to vector<1024x2048xf32>
    %max3A_19 = arith.maximumf %sub3A, %max3A_18 : vector<1024x2048xf32>
    %swap3A = arith.constant 0 : index
    %swap3A_20 = arith.constant 0 : index
    %swap3A_21 = vector.load %arg3[%swap3A, %swap3A_20] : memref<1024x2048xf32, #tpu.memory_space<vmem>>, vector<1024x2048xf32>
    tpu.vector_store %arg3[%swap3A, %swap3A_20], %max3A_19 {strides = array<i32>} : memref<1024x2048xf32, #tpu.memory_space<vmem>>, vector<1024x2048xf32>,
    %dot_general3A_22 = arith.constant dense<0.000000e+00> : vector<2048x1024xf32>
    %dot_general3A_23 = tpu.matmul %get3A_6, %get3A_3, %dot_general3A_22 {dimension_numbers = #tpu.dot_dimension_numbers<[1], [1], [0], [0], [0, 0, 1, 0], [], []>, transpose_lhs_hint = false} : vector<2048x128xf32>, vector<1024x128xf32>, vector<2048x1024xf32> -> vector<2048x1024xf32>
    %get3A_24 = arith.constant 0 : index
    %get3A_25 = arith.constant 0 : index
    %get3A_26 = vector.load %arg5[%get3A_24, %get3A_25] : memref<1x1024xf32, #tpu.memory_space<vmem>>, vector<1x1024xf32>
    %broadcast_in_dim3A_27 = vector.shape_cast %reduce_sum3A_7 : vector<2048xf32> to vector<2048x1xf32>
    %add3A_28 = vector.broadcast %get3A_26 : vector<1x1024xf32> to vector<2048x1024xf32>
    %add3A_29 = vector.broadcast %broadcast_in_dim3A_27 : vector<2048x1xf32> to vector<2048x1024xf32>
    %add3A_30 = arith.addf %add3A_28, %add3A_29 : vector<2048x1024xf32>
    %mul3A_31 = arith.constant 2.000000e+00 : f32
    %mul3A_32 = vector.broadcast %mul3A_31 : f32 to vector<2048x1024xf32>
    %mul3A_33 = arith.mulf %mul3A_32, %dot_general3A_23 : vector<2048x1024xf32>
    %sub3A_34 = arith.subf %add3A_30, %mul3A_33 : vector<2048x1024xf32>
    %max3A_35 = arith.constant 0.000000e+00 : f32
    %max3A_36 = vector.broadcast %max3A_35 : f32 to vector<2048x1024xf32>
    %max3A_37 = arith.maximumf %sub3A_34, %max3A_36 : vector<2048x1024xf32>
    %reshape3A = vector.shape_cast %max3A_37 : vector<2048x1024xf32> to vector<128x16x1024xf32>
    %reduce_min3A = arith.constant dense<0x7F800000> : vector<128x1024xf32>
    %reduce_min3A_38 = vector.multi_reduction <minimumf>, %reshape3A, %reduce_min3A [1] : vector<128x16x1024xf32> to vector<128x1024xf32>
    %swap3A_39 = arith.constant 0 : index
    %swap3A_40 = arith.constant 0 : index
    %swap3A_41 = vector.load %arg4[%swap3A_39, %swap3A_40] : memref<128x1024xf32, #tpu.memory_space<vmem>>, vector<128x1024xf32>
    tpu.vector_store %arg4[%swap3A_39, %swap3A_40], %reduce_min3A_38 {strides = array<i32>} : memref<128x1024xf32, #tpu.memory_space<vmem>>, vector<128x1024xf32>,
    return
  }
  func.func @transform_0(%arg0: i32) -> (i32, i32) {
    %c0_i32 = arith.constant 0 : i32
    %c0_i32_0 = arith.constant 0 : i32
    %c0_i32_1 = arith.constant 0 : i32
    return %c0_i32, %c0_i32_0 : i32, i32
  }
  func.func @transform_1(%arg0: i32) -> (i32, i32) {
    %c0_i32 = arith.constant 0 : i32
    %c0_i32_0 = arith.constant 0 : i32
    return %arg0, %c0_i32 : i32, i32
  }
  func.func @transform_2(%arg0: i32) -> (i32, i32) {
    %c0_i32 = arith.constant 0 : i32
    %c0_i32_0 = arith.constant 0 : i32
    return %c0_i32, %arg0 : i32, i32
  }
  func.func @transform_3(%arg0: i32) -> (i32, i32) {
    %c0_i32 = arith.constant 0 : i32
    %c0_i32_0 = arith.constant 0 : i32
    return %arg0, %c0_i32 : i32, i32
  }
}

module attributes {stable_mosaic.version = 14 : i64} {
  func.func @_top8_body(%arg0: i32, %arg1: memref<256x256xf32, #tpu.memory_space<vmem>>, %arg2: memref<256x256xi32, #tpu.memory_space<vmem>>, %arg3: memref<256x8xi32, #tpu.memory_space<vmem>>) attributes {dimension_semantics = [#tpu.dimension_semantics<arbitrary>], iteration_bounds = array<i64: 4>, scalar_prefetch = 0 : i64, scratch_operands = 0 : i64, tpu.core_type = #tpu.core_type<tc>, window_params = [{transform_indices = @transform_0, window_bounds = array<i64: 256, 256>}, {transform_indices = @transform_1, window_bounds = array<i64: 256, 256>}, {transform_indices = @transform_2, window_bounds = array<i64: 256, 8>}]} {
    %get3A = arith.constant 0 : index
    %get3A_0 = arith.constant 0 : index
    %get3A_1 = vector.load %arg1[%get3A, %get3A_0] : memref<256x256xf32, #tpu.memory_space<vmem>>, vector<256x256xf32>
    %get3A_2 = arith.constant 0 : index
    %get3A_3 = arith.constant 0 : index
    %get3A_4 = vector.load %arg2[%get3A_2, %get3A_3] : memref<256x256xi32, #tpu.memory_space<vmem>>, vector<256x256xi32>
    %iota3A = tpu.iota {dimensions = array<i32: 1>} : vector<256x256xi32>
    %reduce_min3A = arith.constant dense<0x7F800000> : vector<256xf32>
    %reduce_min3A_5 = vector.multi_reduction <minimumf>, %get3A_1, %reduce_min3A [1] : vector<256x256xf32> to vector<256xf32>
    %broadcast_in_dim3A = vector.shape_cast %reduce_min3A_5 : vector<256xf32> to vector<256x1xf32>
    %eq3A = vector.broadcast %broadcast_in_dim3A : vector<256x1xf32> to vector<256x256xf32>
    %eq3A_6 = arith.cmpf oeq, %get3A_1, %eq3A : vector<256x256xf32>
    %jit3A = arith.constant 1073741824 : i32
    %broadcast_in_dim3A_7 = vector.broadcast %jit3A : i32 to vector<256x256xi32>
    %select_n3A = arith.select %eq3A_6, %iota3A, %broadcast_in_dim3A_7 : vector<256x256xi1>, vector<256x256xi32>
    %reduce_min3A_8 = arith.constant dense<2147483647> : vector<256xi32>
    %reduce_min3A_9 = vector.multi_reduction <minsi>, %select_n3A, %reduce_min3A_8 [1] : vector<256x256xi32> to vector<256xi32>
    %broadcast_in_dim3A_10 = vector.shape_cast %reduce_min3A_9 : vector<256xi32> to vector<256x1xi32>
    %eq3A_11 = vector.broadcast %broadcast_in_dim3A_10 : vector<256x1xi32> to vector<256x256xi32>
    %eq3A_12 = arith.cmpi eq, %iota3A, %eq3A_11 : vector<256x256xi32>
    %jit3A_13 = arith.constant 0 : i32
    %broadcast_in_dim3A_14 = vector.broadcast %jit3A_13 : i32 to vector<256x256xi32>
    %select_n3A_15 = arith.select %eq3A_12, %get3A_4, %broadcast_in_dim3A_14 : vector<256x256xi1>, vector<256x256xi32>
    %reduce_sum3A = arith.constant dense<0> : vector<256xi32>
    %reduce_sum3A_16 = vector.multi_reduction <add>, %select_n3A_15, %reduce_sum3A [1] : vector<256x256xi32> to vector<256xi32>
    %swap3A = arith.constant 0 : index
    %swap3A_17 = arith.constant 0 : index
    %swap3A_18 = vector.load %arg3[%swap3A, %swap3A_17] : memref<256x8xi32, #tpu.memory_space<vmem>>, vector<256x1xi32>
    %swap3A_19 = vector.shape_cast %swap3A_18 : vector<256x1xi32> to vector<256xi32>
    %swap3A_20 = vector.shape_cast %reduce_sum3A_16 : vector<256xi32> to vector<256x1xi32>
    tpu.vector_store %arg3[%swap3A, %swap3A_17], %swap3A_20 {strides = array<i32>} : memref<256x8xi32, #tpu.memory_space<vmem>>, vector<256x1xi32>,
    %jit3A_21 = arith.constant 0x7F800000 : f32
    %broadcast_in_dim3A_22 = vector.broadcast %jit3A_21 : f32 to vector<256x256xf32>
    %select_n3A_23 = arith.select %eq3A_12, %broadcast_in_dim3A_22, %get3A_1 : vector<256x256xi1>, vector<256x256xf32>
    %reduce_min3A_24 = arith.constant dense<0x7F800000> : vector<256xf32>
    %reduce_min3A_25 = vector.multi_reduction <minimumf>, %select_n3A_23, %reduce_min3A_24 [1] : vector<256x256xf32> to vector<256xf32>
    %broadcast_in_dim3A_26 = vector.shape_cast %reduce_min3A_25 : vector<256xf32> to vector<256x1xf32>
    %eq3A_27 = vector.broadcast %broadcast_in_dim3A_26 : vector<256x1xf32> to vector<256x256xf32>
    %eq3A_28 = arith.cmpf oeq, %select_n3A_23, %eq3A_27 : vector<256x256xf32>
    %jit3A_29 = arith.constant 1073741824 : i32
    %broadcast_in_dim3A_30 = vector.broadcast %jit3A_29 : i32 to vector<256x256xi32>
    %select_n3A_31 = arith.select %eq3A_28, %iota3A, %broadcast_in_dim3A_30 : vector<256x256xi1>, vector<256x256xi32>
    %reduce_min3A_32 = arith.constant dense<2147483647> : vector<256xi32>
    %reduce_min3A_33 = vector.multi_reduction <minsi>, %select_n3A_31, %reduce_min3A_32 [1] : vector<256x256xi32> to vector<256xi32>
    %broadcast_in_dim3A_34 = vector.shape_cast %reduce_min3A_33 : vector<256xi32> to vector<256x1xi32>
    %eq3A_35 = vector.broadcast %broadcast_in_dim3A_34 : vector<256x1xi32> to vector<256x256xi32>
    %eq3A_36 = arith.cmpi eq, %iota3A, %eq3A_35 : vector<256x256xi32>
    %jit3A_37 = arith.constant 0 : i32
    %broadcast_in_dim3A_38 = vector.broadcast %jit3A_37 : i32 to vector<256x256xi32>
    %select_n3A_39 = arith.select %eq3A_36, %get3A_4, %broadcast_in_dim3A_38 : vector<256x256xi1>, vector<256x256xi32>
    %reduce_sum3A_40 = arith.constant dense<0> : vector<256xi32>
    %reduce_sum3A_41 = vector.multi_reduction <add>, %select_n3A_39, %reduce_sum3A_40 [1] : vector<256x256xi32> to vector<256xi32>
    %swap3A_42 = arith.constant 0 : index
    %swap3A_43 = arith.constant 1 : index
    %swap3A_44 = vector.load %arg3[%swap3A_42, %swap3A_43] : memref<256x8xi32, #tpu.memory_space<vmem>>, vector<256x1xi32>
    %swap3A_45 = vector.shape_cast %swap3A_44 : vector<256x1xi32> to vector<256xi32>
    %swap3A_46 = vector.shape_cast %reduce_sum3A_41 : vector<256xi32> to vector<256x1xi32>
    tpu.vector_store %arg3[%swap3A_42, %swap3A_43], %swap3A_46 {strides = array<i32>} : memref<256x8xi32, #tpu.memory_space<vmem>>, vector<256x1xi32>,
    %jit3A_47 = arith.constant 0x7F800000 : f32
    %broadcast_in_dim3A_48 = vector.broadcast %jit3A_47 : f32 to vector<256x256xf32>
    %select_n3A_49 = arith.select %eq3A_36, %broadcast_in_dim3A_48, %select_n3A_23 : vector<256x256xi1>, vector<256x256xf32>
    %reduce_min3A_50 = arith.constant dense<0x7F800000> : vector<256xf32>
    %reduce_min3A_51 = vector.multi_reduction <minimumf>, %select_n3A_49, %reduce_min3A_50 [1] : vector<256x256xf32> to vector<256xf32>
    %broadcast_in_dim3A_52 = vector.shape_cast %reduce_min3A_51 : vector<256xf32> to vector<256x1xf32>
    %eq3A_53 = vector.broadcast %broadcast_in_dim3A_52 : vector<256x1xf32> to vector<256x256xf32>
    %eq3A_54 = arith.cmpf oeq, %select_n3A_49, %eq3A_53 : vector<256x256xf32>
    %jit3A_55 = arith.constant 1073741824 : i32
    %broadcast_in_dim3A_56 = vector.broadcast %jit3A_55 : i32 to vector<256x256xi32>
    %select_n3A_57 = arith.select %eq3A_54, %iota3A, %broadcast_in_dim3A_56 : vector<256x256xi1>, vector<256x256xi32>
    %reduce_min3A_58 = arith.constant dense<2147483647> : vector<256xi32>
    %reduce_min3A_59 = vector.multi_reduction <minsi>, %select_n3A_57, %reduce_min3A_58 [1] : vector<256x256xi32> to vector<256xi32>
    %broadcast_in_dim3A_60 = vector.shape_cast %reduce_min3A_59 : vector<256xi32> to vector<256x1xi32>
    %eq3A_61 = vector.broadcast %broadcast_in_dim3A_60 : vector<256x1xi32> to vector<256x256xi32>
    %eq3A_62 = arith.cmpi eq, %iota3A, %eq3A_61 : vector<256x256xi32>
    %jit3A_63 = arith.constant 0 : i32
    %broadcast_in_dim3A_64 = vector.broadcast %jit3A_63 : i32 to vector<256x256xi32>
    %select_n3A_65 = arith.select %eq3A_62, %get3A_4, %broadcast_in_dim3A_64 : vector<256x256xi1>, vector<256x256xi32>
    %reduce_sum3A_66 = arith.constant dense<0> : vector<256xi32>
    %reduce_sum3A_67 = vector.multi_reduction <add>, %select_n3A_65, %reduce_sum3A_66 [1] : vector<256x256xi32> to vector<256xi32>
    %swap3A_68 = arith.constant 0 : index
    %swap3A_69 = arith.constant 2 : index
    %swap3A_70 = vector.load %arg3[%swap3A_68, %swap3A_69] : memref<256x8xi32, #tpu.memory_space<vmem>>, vector<256x1xi32>
    %swap3A_71 = vector.shape_cast %swap3A_70 : vector<256x1xi32> to vector<256xi32>
    %swap3A_72 = vector.shape_cast %reduce_sum3A_67 : vector<256xi32> to vector<256x1xi32>
    tpu.vector_store %arg3[%swap3A_68, %swap3A_69], %swap3A_72 {strides = array<i32>} : memref<256x8xi32, #tpu.memory_space<vmem>>, vector<256x1xi32>,
    %jit3A_73 = arith.constant 0x7F800000 : f32
    %broadcast_in_dim3A_74 = vector.broadcast %jit3A_73 : f32 to vector<256x256xf32>
    %select_n3A_75 = arith.select %eq3A_62, %broadcast_in_dim3A_74, %select_n3A_49 : vector<256x256xi1>, vector<256x256xf32>
    %reduce_min3A_76 = arith.constant dense<0x7F800000> : vector<256xf32>
    %reduce_min3A_77 = vector.multi_reduction <minimumf>, %select_n3A_75, %reduce_min3A_76 [1] : vector<256x256xf32> to vector<256xf32>
    %broadcast_in_dim3A_78 = vector.shape_cast %reduce_min3A_77 : vector<256xf32> to vector<256x1xf32>
    %eq3A_79 = vector.broadcast %broadcast_in_dim3A_78 : vector<256x1xf32> to vector<256x256xf32>
    %eq3A_80 = arith.cmpf oeq, %select_n3A_75, %eq3A_79 : vector<256x256xf32>
    %jit3A_81 = arith.constant 1073741824 : i32
    %broadcast_in_dim3A_82 = vector.broadcast %jit3A_81 : i32 to vector<256x256xi32>
    %select_n3A_83 = arith.select %eq3A_80, %iota3A, %broadcast_in_dim3A_82 : vector<256x256xi1>, vector<256x256xi32>
    %reduce_min3A_84 = arith.constant dense<2147483647> : vector<256xi32>
    %reduce_min3A_85 = vector.multi_reduction <minsi>, %select_n3A_83, %reduce_min3A_84 [1] : vector<256x256xi32> to vector<256xi32>
    %broadcast_in_dim3A_86 = vector.shape_cast %reduce_min3A_85 : vector<256xi32> to vector<256x1xi32>
    %eq3A_87 = vector.broadcast %broadcast_in_dim3A_86 : vector<256x1xi32> to vector<256x256xi32>
    %eq3A_88 = arith.cmpi eq, %iota3A, %eq3A_87 : vector<256x256xi32>
    %jit3A_89 = arith.constant 0 : i32
    %broadcast_in_dim3A_90 = vector.broadcast %jit3A_89 : i32 to vector<256x256xi32>
    %select_n3A_91 = arith.select %eq3A_88, %get3A_4, %broadcast_in_dim3A_90 : vector<256x256xi1>, vector<256x256xi32>
    %reduce_sum3A_92 = arith.constant dense<0> : vector<256xi32>
    %reduce_sum3A_93 = vector.multi_reduction <add>, %select_n3A_91, %reduce_sum3A_92 [1] : vector<256x256xi32> to vector<256xi32>
    %swap3A_94 = arith.constant 0 : index
    %swap3A_95 = arith.constant 3 : index
    %swap3A_96 = vector.load %arg3[%swap3A_94, %swap3A_95] : memref<256x8xi32, #tpu.memory_space<vmem>>, vector<256x1xi32>
    %swap3A_97 = vector.shape_cast %swap3A_96 : vector<256x1xi32> to vector<256xi32>
    %swap3A_98 = vector.shape_cast %reduce_sum3A_93 : vector<256xi32> to vector<256x1xi32>
    tpu.vector_store %arg3[%swap3A_94, %swap3A_95], %swap3A_98 {strides = array<i32>} : memref<256x8xi32, #tpu.memory_space<vmem>>, vector<256x1xi32>,
    %jit3A_99 = arith.constant 0x7F800000 : f32
    %broadcast_in_dim3A_100 = vector.broadcast %jit3A_99 : f32 to vector<256x256xf32>
    %select_n3A_101 = arith.select %eq3A_88, %broadcast_in_dim3A_100, %select_n3A_75 : vector<256x256xi1>, vector<256x256xf32>
    %reduce_min3A_102 = arith.constant dense<0x7F800000> : vector<256xf32>
    %reduce_min3A_103 = vector.multi_reduction <minimumf>, %select_n3A_101, %reduce_min3A_102 [1] : vector<256x256xf32> to vector<256xf32>
    %broadcast_in_dim3A_104 = vector.shape_cast %reduce_min3A_103 : vector<256xf32> to vector<256x1xf32>
    %eq3A_105 = vector.broadcast %broadcast_in_dim3A_104 : vector<256x1xf32> to vector<256x256xf32>
    %eq3A_106 = arith.cmpf oeq, %select_n3A_101, %eq3A_105 : vector<256x256xf32>
    %jit3A_107 = arith.constant 1073741824 : i32
    %broadcast_in_dim3A_108 = vector.broadcast %jit3A_107 : i32 to vector<256x256xi32>
    %select_n3A_109 = arith.select %eq3A_106, %iota3A, %broadcast_in_dim3A_108 : vector<256x256xi1>, vector<256x256xi32>
    %reduce_min3A_110 = arith.constant dense<2147483647> : vector<256xi32>
    %reduce_min3A_111 = vector.multi_reduction <minsi>, %select_n3A_109, %reduce_min3A_110 [1] : vector<256x256xi32> to vector<256xi32>
    %broadcast_in_dim3A_112 = vector.shape_cast %reduce_min3A_111 : vector<256xi32> to vector<256x1xi32>
    %eq3A_113 = vector.broadcast %broadcast_in_dim3A_112 : vector<256x1xi32> to vector<256x256xi32>
    %eq3A_114 = arith.cmpi eq, %iota3A, %eq3A_113 : vector<256x256xi32>
    %jit3A_115 = arith.constant 0 : i32
    %broadcast_in_dim3A_116 = vector.broadcast %jit3A_115 : i32 to vector<256x256xi32>
    %select_n3A_117 = arith.select %eq3A_114, %get3A_4, %broadcast_in_dim3A_116 : vector<256x256xi1>, vector<256x256xi32>
    %reduce_sum3A_118 = arith.constant dense<0> : vector<256xi32>
    %reduce_sum3A_119 = vector.multi_reduction <add>, %select_n3A_117, %reduce_sum3A_118 [1] : vector<256x256xi32> to vector<256xi32>
    %swap3A_120 = arith.constant 0 : index
    %swap3A_121 = arith.constant 4 : index
    %swap3A_122 = vector.load %arg3[%swap3A_120, %swap3A_121] : memref<256x8xi32, #tpu.memory_space<vmem>>, vector<256x1xi32>
    %swap3A_123 = vector.shape_cast %swap3A_122 : vector<256x1xi32> to vector<256xi32>
    %swap3A_124 = vector.shape_cast %reduce_sum3A_119 : vector<256xi32> to vector<256x1xi32>
    tpu.vector_store %arg3[%swap3A_120, %swap3A_121], %swap3A_124 {strides = array<i32>} : memref<256x8xi32, #tpu.memory_space<vmem>>, vector<256x1xi32>,
    %jit3A_125 = arith.constant 0x7F800000 : f32
    %broadcast_in_dim3A_126 = vector.broadcast %jit3A_125 : f32 to vector<256x256xf32>
    %select_n3A_127 = arith.select %eq3A_114, %broadcast_in_dim3A_126, %select_n3A_101 : vector<256x256xi1>, vector<256x256xf32>
    %reduce_min3A_128 = arith.constant dense<0x7F800000> : vector<256xf32>
    %reduce_min3A_129 = vector.multi_reduction <minimumf>, %select_n3A_127, %reduce_min3A_128 [1] : vector<256x256xf32> to vector<256xf32>
    %broadcast_in_dim3A_130 = vector.shape_cast %reduce_min3A_129 : vector<256xf32> to vector<256x1xf32>
    %eq3A_131 = vector.broadcast %broadcast_in_dim3A_130 : vector<256x1xf32> to vector<256x256xf32>
    %eq3A_132 = arith.cmpf oeq, %select_n3A_127, %eq3A_131 : vector<256x256xf32>
    %jit3A_133 = arith.constant 1073741824 : i32
    %broadcast_in_dim3A_134 = vector.broadcast %jit3A_133 : i32 to vector<256x256xi32>
    %select_n3A_135 = arith.select %eq3A_132, %iota3A, %broadcast_in_dim3A_134 : vector<256x256xi1>, vector<256x256xi32>
    %reduce_min3A_136 = arith.constant dense<2147483647> : vector<256xi32>
    %reduce_min3A_137 = vector.multi_reduction <minsi>, %select_n3A_135, %reduce_min3A_136 [1] : vector<256x256xi32> to vector<256xi32>
    %broadcast_in_dim3A_138 = vector.shape_cast %reduce_min3A_137 : vector<256xi32> to vector<256x1xi32>
    %eq3A_139 = vector.broadcast %broadcast_in_dim3A_138 : vector<256x1xi32> to vector<256x256xi32>
    %eq3A_140 = arith.cmpi eq, %iota3A, %eq3A_139 : vector<256x256xi32>
    %jit3A_141 = arith.constant 0 : i32
    %broadcast_in_dim3A_142 = vector.broadcast %jit3A_141 : i32 to vector<256x256xi32>
    %select_n3A_143 = arith.select %eq3A_140, %get3A_4, %broadcast_in_dim3A_142 : vector<256x256xi1>, vector<256x256xi32>
    %reduce_sum3A_144 = arith.constant dense<0> : vector<256xi32>
    %reduce_sum3A_145 = vector.multi_reduction <add>, %select_n3A_143, %reduce_sum3A_144 [1] : vector<256x256xi32> to vector<256xi32>
    %swap3A_146 = arith.constant 0 : index
    %swap3A_147 = arith.constant 5 : index
    %swap3A_148 = vector.load %arg3[%swap3A_146, %swap3A_147] : memref<256x8xi32, #tpu.memory_space<vmem>>, vector<256x1xi32>
    %swap3A_149 = vector.shape_cast %swap3A_148 : vector<256x1xi32> to vector<256xi32>
    %swap3A_150 = vector.shape_cast %reduce_sum3A_145 : vector<256xi32> to vector<256x1xi32>
    tpu.vector_store %arg3[%swap3A_146, %swap3A_147], %swap3A_150 {strides = array<i32>} : memref<256x8xi32, #tpu.memory_space<vmem>>, vector<256x1xi32>,
    %jit3A_151 = arith.constant 0x7F800000 : f32
    %broadcast_in_dim3A_152 = vector.broadcast %jit3A_151 : f32 to vector<256x256xf32>
    %select_n3A_153 = arith.select %eq3A_140, %broadcast_in_dim3A_152, %select_n3A_127 : vector<256x256xi1>, vector<256x256xf32>
    %reduce_min3A_154 = arith.constant dense<0x7F800000> : vector<256xf32>
    %reduce_min3A_155 = vector.multi_reduction <minimumf>, %select_n3A_153, %reduce_min3A_154 [1] : vector<256x256xf32> to vector<256xf32>
    %broadcast_in_dim3A_156 = vector.shape_cast %reduce_min3A_155 : vector<256xf32> to vector<256x1xf32>
    %eq3A_157 = vector.broadcast %broadcast_in_dim3A_156 : vector<256x1xf32> to vector<256x256xf32>
    %eq3A_158 = arith.cmpf oeq, %select_n3A_153, %eq3A_157 : vector<256x256xf32>
    %jit3A_159 = arith.constant 1073741824 : i32
    %broadcast_in_dim3A_160 = vector.broadcast %jit3A_159 : i32 to vector<256x256xi32>
    %select_n3A_161 = arith.select %eq3A_158, %iota3A, %broadcast_in_dim3A_160 : vector<256x256xi1>, vector<256x256xi32>
    %reduce_min3A_162 = arith.constant dense<2147483647> : vector<256xi32>
    %reduce_min3A_163 = vector.multi_reduction <minsi>, %select_n3A_161, %reduce_min3A_162 [1] : vector<256x256xi32> to vector<256xi32>
    %broadcast_in_dim3A_164 = vector.shape_cast %reduce_min3A_163 : vector<256xi32> to vector<256x1xi32>
    %eq3A_165 = vector.broadcast %broadcast_in_dim3A_164 : vector<256x1xi32> to vector<256x256xi32>
    %eq3A_166 = arith.cmpi eq, %iota3A, %eq3A_165 : vector<256x256xi32>
    %jit3A_167 = arith.constant 0 : i32
    %broadcast_in_dim3A_168 = vector.broadcast %jit3A_167 : i32 to vector<256x256xi32>
    %select_n3A_169 = arith.select %eq3A_166, %get3A_4, %broadcast_in_dim3A_168 : vector<256x256xi1>, vector<256x256xi32>
    %reduce_sum3A_170 = arith.constant dense<0> : vector<256xi32>
    %reduce_sum3A_171 = vector.multi_reduction <add>, %select_n3A_169, %reduce_sum3A_170 [1] : vector<256x256xi32> to vector<256xi32>
    %swap3A_172 = arith.constant 0 : index
    %swap3A_173 = arith.constant 6 : index
    %swap3A_174 = vector.load %arg3[%swap3A_172, %swap3A_173] : memref<256x8xi32, #tpu.memory_space<vmem>>, vector<256x1xi32>
    %swap3A_175 = vector.shape_cast %swap3A_174 : vector<256x1xi32> to vector<256xi32>
    %swap3A_176 = vector.shape_cast %reduce_sum3A_171 : vector<256xi32> to vector<256x1xi32>
    tpu.vector_store %arg3[%swap3A_172, %swap3A_173], %swap3A_176 {strides = array<i32>} : memref<256x8xi32, #tpu.memory_space<vmem>>, vector<256x1xi32>,
    %jit3A_177 = arith.constant 0x7F800000 : f32
    %broadcast_in_dim3A_178 = vector.broadcast %jit3A_177 : f32 to vector<256x256xf32>
    %select_n3A_179 = arith.select %eq3A_166, %broadcast_in_dim3A_178, %select_n3A_153 : vector<256x256xi1>, vector<256x256xf32>
    %reduce_min3A_180 = arith.constant dense<0x7F800000> : vector<256xf32>
    %reduce_min3A_181 = vector.multi_reduction <minimumf>, %select_n3A_179, %reduce_min3A_180 [1] : vector<256x256xf32> to vector<256xf32>
    %broadcast_in_dim3A_182 = vector.shape_cast %reduce_min3A_181 : vector<256xf32> to vector<256x1xf32>
    %eq3A_183 = vector.broadcast %broadcast_in_dim3A_182 : vector<256x1xf32> to vector<256x256xf32>
    %eq3A_184 = arith.cmpf oeq, %select_n3A_179, %eq3A_183 : vector<256x256xf32>
    %jit3A_185 = arith.constant 1073741824 : i32
    %broadcast_in_dim3A_186 = vector.broadcast %jit3A_185 : i32 to vector<256x256xi32>
    %select_n3A_187 = arith.select %eq3A_184, %iota3A, %broadcast_in_dim3A_186 : vector<256x256xi1>, vector<256x256xi32>
    %reduce_min3A_188 = arith.constant dense<2147483647> : vector<256xi32>
    %reduce_min3A_189 = vector.multi_reduction <minsi>, %select_n3A_187, %reduce_min3A_188 [1] : vector<256x256xi32> to vector<256xi32>
    %broadcast_in_dim3A_190 = vector.shape_cast %reduce_min3A_189 : vector<256xi32> to vector<256x1xi32>
    %eq3A_191 = vector.broadcast %broadcast_in_dim3A_190 : vector<256x1xi32> to vector<256x256xi32>
    %eq3A_192 = arith.cmpi eq, %iota3A, %eq3A_191 : vector<256x256xi32>
    %jit3A_193 = arith.constant 0 : i32
    %broadcast_in_dim3A_194 = vector.broadcast %jit3A_193 : i32 to vector<256x256xi32>
    %select_n3A_195 = arith.select %eq3A_192, %get3A_4, %broadcast_in_dim3A_194 : vector<256x256xi1>, vector<256x256xi32>
    %reduce_sum3A_196 = arith.constant dense<0> : vector<256xi32>
    %reduce_sum3A_197 = vector.multi_reduction <add>, %select_n3A_195, %reduce_sum3A_196 [1] : vector<256x256xi32> to vector<256xi32>
    %swap3A_198 = arith.constant 0 : index
    %swap3A_199 = arith.constant 7 : index
    %swap3A_200 = vector.load %arg3[%swap3A_198, %swap3A_199] : memref<256x8xi32, #tpu.memory_space<vmem>>, vector<256x1xi32>
    %swap3A_201 = vector.shape_cast %swap3A_200 : vector<256x1xi32> to vector<256xi32>
    %swap3A_202 = vector.shape_cast %reduce_sum3A_197 : vector<256xi32> to vector<256x1xi32>
    tpu.vector_store %arg3[%swap3A_198, %swap3A_199], %swap3A_202 {strides = array<i32>} : memref<256x8xi32, #tpu.memory_space<vmem>>, vector<256x1xi32>,
    return
  }
  func.func @transform_0(%arg0: i32) -> (i32, i32) {
    %c0_i32 = arith.constant 0 : i32
    %c0_i32_0 = arith.constant 0 : i32
    return %arg0, %c0_i32 : i32, i32
  }
  func.func @transform_1(%arg0: i32) -> (i32, i32) {
    %c0_i32 = arith.constant 0 : i32
    %c0_i32_0 = arith.constant 0 : i32
    return %arg0, %c0_i32 : i32, i32
  }
  func.func @transform_2(%arg0: i32) -> (i32, i32) {
    %c0_i32 = arith.constant 0 : i32
    %c0_i32_0 = arith.constant 0 : i32
    return %arg0, %c0_i32 : i32, i32
  }
}

</mosaic_0001>

<sc_bundles>
// kernel: gather_offload_async_start.1
scs
__scs_entry_jumppad:
0x0: {  	(pc) =	sbr.rel $0x88, $3  }
0x1: {  	(tag) =	ssettag $0x0;
	lr =	simm.s32 $0x1  }
0x2: {  	[smem:$0x3F9E] =	sst lr;
	_ =	strace $0xD0000000  }
0x3: {  	_ = 	snop  }
0x4: {  	_ = 	snop  }
0x5: {  	_ = 	snop  }
0x6: {  	_ = 	snop  }
0x7: {  	_ = 	snop  }
__scs_overlays_trampoline_lowered:
0x8: {  	[smem:$0x3FAD] =	sst s0  }
0x9: {  	[smem:$0x3FAE] =	sst s1  }
0xa: {  	[smem:$0x3FAF] =	sst s2  }
0xb: {  	[smem:$0x3FB0] =	sst s3  }
0xc: {  	[smem:$0x3FB1] =	sst s4  }
0xd: {  	[smem:$0x3FB2] =	sst s5  }
0xe: {  	[smem:$0x3FB3] =	sst s6  }
0xf: {  	[smem:$0x3FB4] =	sst s7  }
0x10: {  	[smem:$0x3FB5] =	sst s8  }
0x11: {  	[smem:$0x3FB6] =	sst s9;
	s0 =	simm.s32 @!p0 $0x0  }
0x12: {  	s1 =	sld [smem:$0x3F9C];
	s0 =	simm.s32 @p0 $0x1  }
0x13: {  	[smem:$0x3FB7] =	sst s0;
	s0 =	simm.s32 @!p1 $0x0  }
0x14: {  	s2 =	sld [smem:$0x3F9B];
	s0 =	simm.s32 @p1 $0x1  }
0x15: {  	[smem:$0x3FB8] =	sst s0;
	s0 =	simm.s32 @!p2 $0x0  }
0x16: {  	s3 =	sld [smem:$0x3FDB];
	s0 =	simm.s32 @p2 $0x1  }
0x17: {  	s4 =	simm.s32 $0x1BF5;
	[smem:$0x3FBA] =	sst s0  }
0x18: {  	s0 =	sld [smem:$0x3F9D];
	_ =	swait.ge [sflag:s4], $0x0  }
0x19: {  	s7 =	sld [smem:$0x3F9E]  }
0x1a: {  	s8 =	sadd.s32 $0xFFFFE003, lr  }
0x1b: {  	s9 =	sadd.s32 $0xFFFFFEF7, lr;
	s5 =	simm.s32 $0xFFFFFFFF;
	p2 =	slt.u32 s8, $0xFFFFF086  }
0x1c: {  	p1 =	slt.u32 s9, $0xF7A;
	s5 =	simm.s32 @!p2 $0x0  }
0x1d: {  	s5 =	simm.s32 @p1 $0x1;
	p0 =	seq.s32 s7, s2  }
0x1e: {  	s7 =	smul.u32 @!p0 $0xF7A, s2;
	p2 =	seq.s32 @!p0 s5, $0x0  }
0x1f: {  	s9 =	smul.u32 $0xF7A, s1;
	s8 =	simm.s32 @!p0 $0x1BF5;
	p2 =	por !p2, p0  }
0x20: {  	[sflag:s8] =	ssyncset.s32 @!p0 $0xFFFFF086;
	s6 =	sadd.s32 @!p0 s3, s7;
	s7 =	simm.s32 @!p0 $0x108  }
0x21: {  	s3 =	sadd.s32 s3, s9;
	s6 =	sadd.s32 @!p0 $0x88, s6;
	s7 =	simm.s32 @p2 $0x1082  }
0x22: {  	[simem:s7], [sflag:s8] =	dma.local @!p0 [hbm:s6], $0xF7A  }
0x23: {  	s9 =	sor.u32 $0xD0000000, s2;
	s6 =	simm.s32 $0x108;
	_ =	swait.ge @!p0 [sflag:s8], $0x0  }
0x24: {  	s3 =	sadd.s32 $0x88, s3;
	s6 =	simm.s32 @!p1 $0x1082;
	[sflag:s4] =	ssyncset.s32 $0xFFFFF086  }
0x25: {  	[simem:s6], [sflag:s4] =	dma.local [hbm:s3], $0xF7A  }
0x26: {  	[smem:$0x3F9E] =	sst s1;
	(tag) =	ssettag s2;
	_ =	strace s9  }
0x27: {  	s1 =	sld [smem:$0x3FAE]  }
0x28: {  	s2 =	sld [smem:$0x3FAF]  }
0x29: {  	s4 =	sld [smem:$0x3FB1]  }
0x2a: {  	p0 =	seq.s32 s5, $0x0;
	s5 =	sld [smem:$0x3FB2]  }
0x2b: {  	s6 =	sld [smem:$0x3FB3]  }
0x2c: {  	s7 =	sld [smem:$0x3FB4]  }
0x2d: {  	s3 =	simm.s32 $0x108;
	s8 =	sld [smem:$0x3FB5]  }
0x2e: {  	s3 =	simm.s32 @!p0 $0x1082;
	s9 =	sld [smem:$0x3FB6]  }
0x2f: {  	lr =	sadd.s32 s0, s3;
	s0 =	sld [smem:$0x3FAD]  }
0x30: {  	s3 =	sld [smem:$0x3FB0]  }
0x31: {  	[smem:$0x3FB9] =	sst s10  }
0x32: {  	s10 =	sld [smem:$0x3FB7];
	_ =	sdelay $0x3  }
0x33: {  	p0 =	seq.s32 s10, $0x1;
	s10 =	sld [smem:$0x3FB9];
	_ =	sdelay $0x3  }
0x34: {  	[smem:$0x3FB9] =	sst s10  }
0x35: {  	s10 =	sld [smem:$0x3FB8];
	_ =	sdelay $0x3  }
0x36: {  	p1 =	seq.s32 s10, $0x1;
	s10 =	sld [smem:$0x3FB9];
	_ =	sdelay $0x3  }
0x37: {  	[smem:$0x3FB9] =	sst s10  }
0x38: {  	s10 =	sld [smem:$0x3FBA]  }
0x39: {  	_ = 	snop;
	(pc) =	sbr.ind lr, $3  }
0x3a: {  	_ = 	snop  }
0x3b: {  	_ = 	snop  }
0x3c: {  	p2 =	seq.s32 s10, $0x1;
	s10 =	sld [smem:$0x3FB9]  }
0x3d: {  	_ =	shalt  }
0x3e: {  	_ =	shalt  }
0x3f: {  	_ =	shalt  }
0x40: {  	_ =	shalt  }
0x41: {  	_ =	shalt  }
0x42: {  	_ =	shalt  }
0x43: {  	_ =	shalt  }
0x44: {  	_ =	shalt  }
0x45: {  	_ =	shalt  }
0x46: {  	_ =	shalt  }
0x47: {  	_ =	shalt  }
0x48: {  	_ =	shalt  }
0x49: {  	_ =	shalt  }
0x4a: {  	_ =	shalt  }
0x4b: {  	_ =	shalt  }
0x4c: {  	_ =	shalt  }
0x4d: {  	_ =	shalt  }
0x4e: {  	_ =	shalt  }
0x4f: {  	_ =	shalt  }
0x50: {  	_ =	shalt  }
0x51: {  	_ =	shalt  }
0x52: {  	_ =	shalt  }
0x53: {  	_ =	shalt  }
0x54: {  	_ =	shalt  }
0x55: {  	_ =	shalt  }
0x56: {  	_ =	shalt  }
0x57: {  	_ =	shalt  }
0x58: {  	_ =	shalt  }
0x59: {  	_ =	shalt  }
0x5a: {  	_ =	shalt  }
0x5b: {  	_ =	shalt  }
0x5c: {  	_ =	shalt  }
0x5d: {  	_ =	shalt  }
0x5e: {  	_ =	shalt  }
0x5f: {  	_ =	shalt  }
0x60: {  	_ =	shalt  }
0x61: {  	_ =	shalt  }
0x62: {  	_ =	shalt  }
0x63: {  	_ =	shalt  }
0x64: {  	_ =	shalt  }
0x65: {  	_ =	shalt  }
0x66: {  	_ =	shalt  }
0x67: {  	_ =	shalt  }
0x68: {  	_ =	shalt  }
0x69: {  	_ =	shalt  }
0x6a: {  	_ =	shalt  }
0x6b: {  	_ =	shalt  }
0x6c: {  	_ =	shalt  }
0x6d: {  	_ =	shalt  }
0x6e: {  	_ =	shalt  }
0x6f: {  	_ =	shalt  }
0x70: {  	_ =	shalt  }
0x71: {  	_ =	shalt  }
0x72: {  	_ =	shalt  }
0x73: {  	_ =	shalt  }
0x74: {  	_ =	shalt  }
0x75: {  	_ =	shalt  }
0x76: {  	_ =	shalt  }
0x77: {  	_ =	shalt  }
0x78: {  	_ =	shalt  }
0x79: {  	_ =	shalt  }
0x7a: {  	_ =	shalt  }
0x7b: {  	_ =	shalt  }
0x7c: {  	_ =	shalt  }
0x7d: {  	_ =	shalt  }
0x7e: {  	_ =	shalt  }
0x7f: {  	_ =	shalt  }
0x80: {  	_ =	shalt  }
0x81: {  	_ =	shalt  }
0x82: {  	_ =	shalt  }
0x83: {  	_ =	shalt  }
0x84: {  	_ =	shalt  }
0x85: {  	_ =	shalt  }
0x86: {  	_ =	shalt  }
0x87: {  	_ =	shalt  }
.Lfunc_end0:
.L_simem_size_0:
called_computation.1_lowered:
.L_overlay_start_0:
0x88: {  	s2 =	sld [smem:$0x3FD9]  }
0x89: {  	s3 =	sld [smem:$0x3FFE];
	_ =	sdelay $0x1  }
0x8a: {  	s1 =	srdreg.scid  }
0x8b: {  	s0 =	sand.u32 $0x1, s1  }
0x8c: {  	s17 =	sshll.u32 s0, $0xA;
	s2 =	sadd.s32 s3, s2  }
0x8d: {  	s2 =	sadd.s32 s2, s17  }
0x8e: {  	[smem:$0x3FC5] =	sst s2  }
0x8f: {  	_ = 	snop  }
0x90: {  	s2 =	sld [smem:$0x3FD0];
	(tm) =	ssettm $0x1  }
0x91: {  	s18 =	sld [smem:$0x3FFB];
	_ =	sdelay $0x3  }
0x92: {  	_ =	strace s18  }
0x93: {  	s3 =	sld [smem:$0x3FFC];
	_ =	sdelay $0x3  }
0x94: {  	_ =	strace s3  }
0x95: {  	s3 =	sld [smem:$0x3FFD];
	_ =	sdelay $0x3  }
0x96: {  	_ =	strace s3  }
0x97: {  	_ =	strace $0x8FFFFFFF  }
0x98: {  	s19 =	sld [smem:$0x3FDB];
	_ =	sdelay $0x1  }
0x99: {  	s4 =	simm.s32 $_scs_section_size  }
0x9a: {  	s5 =	simm.s32 $_size__tile_overlayer_lowered;
	s6 =	simm.s32 $_tile_overlayer_lowered  }
0x9b: {  	s22 =	simm.s32 $0x1BFF;
	s21 =	sshll.u32 s6, $0x1;
	s3 =	sadd.s32 s4, s19  }
0x9c: {  	s7 =	simm.s32 $0x0;
	s20 =	sshll.u32 s5, $0x1;
	s5 =	sadd.s32 s21, s3  }
0x9d: {  	[timem:s7], [sflag:s22] =	dma.local [hbm:s5], s20  }
0x9e: {  	_ =	swait.ge [sflag:s22], s20  }
0x9f: {  	s4 =	ssub.s32 $0x0, s20;
	[sflag:s22] =	ssyncset.done $0x0  }
0xa0: {  	[sflag:s22] =	ssyncadd.s32 s4;
	_ =	sdelay $0x1  }
0xa1: {  	s23 =	simm.s32 $0x1B8B  }
0xa2: {  	_ =	swait.ge [sflag:s23], $0x1  }
0xa3: {  	[sflag:s23] =	ssyncset.done $0x0  }
0xa4: {  	s25 =	simm.s32 $0x1B8E;
	s24 =	sld [smem:$0x3FFE];
	[sflag:s23] =	ssyncadd.s32 $0xFFFFFFFF  }
0xa5: {  	s26 =	simm.s32 $execute0_lowered;
	[smem:$0x3FD2] =	sst s25  }
0xa6: {  	s5 =	sshll.u32 s26, $0x1;
	_ =	strace $0x80000049;
	[dreg:$0x1] =	wrdreg $0xFFFFFFFF  }
0xa7: {  	s28 =	simm.s32 $_size_execute0_lowered;
	s3 =	sadd.s32 s3, s5;
	[dreg:$0x0] =	wrdreg $0x0  }
0xa8: {  	s5 =	sshll.u32 s28, $0x1;
	[dreg:$0x2] =	wrdreg s3  }
0xa9: {  	[dreg:$0x3] =	wrdreg s5  }
0xaa: {  	[dreg:$0x4] =	wrdreg $0xC0  }
0xab: {  	_ =	task [dreg:s7], $0x5FFFF  }
0xac: {  	[dreg:$0x1] =	wrdreg $0xFFFFFFFF  }
0xad: {  	[dreg:$0x0] =	wrdreg $0x60  }
0xae: {  	[dreg:$0x2] =	wrdreg s2  }
0xaf: {  	[dreg:$0x3] =	wrdreg s24  }
0xb0: {  	[dreg:$0x4] =	wrdreg $0x9  }
0xb1: {  	_ =	task.clear_ibuf [dreg:s7], $0x5FFFF;
	_ =	strace $0x90000049  }
0xb2: {  	s29 =	simm.s32 $0x9;
	_ =	strace $0x8000004B  }
0xb3: {  	_ =	swait.ge [sflag:s29], $0x1  }
0xb4: {  	[sflag:s29] =	ssyncadd.s32 $0xFFFFFFFF  }
0xb5: {  	_ =	strace $0x9000004B  }
0xb6: {  	_ =	sfence  }
0xb7: {  	s30 =	sld [smem:$0x0];
	_ =	sdelay $0x2  }
0xb8: {  	s31 =	sshll.u32 s1, $0xD;
	s1 =	sshrl.u32 s1, $0x2  }
0xb9: {  	s3 =	sand.u32 $0x4000, s31;
	s1 =	sadd.s32 s1, s30  }
0xba: {  	s0 =	sor.u32 s3, s0;
	s1 =	sshll.u32 s1, $0x11  }
0xbb: {  	s0 =	sor.u32 s1, s0  }
0xbc: {  	s0 =	sadd.s32 $0x8F2B, s0  }
0xbd: {  	[sflag:s0] =	ssyncadd.remote.s32 $0x1  }
0xbe: {  	_ =	sfence.sel $0xFFFF  }
0xbf: {  	[dreg:$0x0] =	wrdreg $0xFFFFFFFF;
	(pc) =	sbr.abs _section_cstart, $3  }
0xc0: {  	[dreg:$0x1] =	wrdreg $0xFFFFFFFF  }
0xc1: {  	_ =	task.clear_ibuf [dreg:s7], $0x2FFFF;
	_ =	strace $0x9FFFFFFF  }
0xc2: {  	(tm) =	ssettm $0x7FFFFFFF  }
0xc3: {  	_ =	shalt  }
tec
execute0_lowered:
.L_overlay_start_1:
0x0: {  	(tag) =	ssettag $0x1  }
0x1: {  	s1 =	srdreg.scid;
	s2 =	rddreg [dreg:$0x0]  }
0x2: {  	s0 =	stileid.u32;
	s5 =	rddreg [dreg:$0x1];
	s6 =	simm.s32 $0x1  }
0x3: {  	s9 =	simm.s32 $0x1;
	s10 =	simm.s32 $0x3;
	s1 =	sshll.u32 s1, $0xC  }
0x4: {  	s13 =	simm.s32 $0x0;
	s3 =	sshll.u32 s0, $0xD;
	s4 =	sand.u32 $0x1000, s1  }
0x5: {  	s12 =	simm.s32 $0x0;
	s1 =	rddreg [dreg:$0x2];
	s3 =	sor.u32 s3, s4  }
0x6: {  	_ =	strace $0x8000004A;
	s4 =	sadd.s32 $0x7C00, s5;
	s8 =	ssub.s32 $0x40000, s3  }
.Ltmp0:
0x7: {  	s5 =	sadd.s32 $0x947A00, s5;
	s7 =	sand.u32 $0x1F000, s8;
	(pc) =	sbr.rel .LBB2_1-.Ltmp0, $4  }
0x8: {  	[sflag:s6] =	ssyncpa.u1 $0x0;
	s11 =	smov.u32 s3;
	p0 =	sne.s32 s7, $0x0  }
0x9: {  	s8 =	sshrl.u32 s8, $0x11;
	s7 =	simm.s32 $0x2;
	s9 =	simm.s32 @!p0 $0x0  }
0xa: {  	[sflag:s7] =	ssyncpa.u1 $0x0;
	p0 =	por $0x0, $0x0;
	s8 =	sadd.s32 s9, s8  }
0xb: {  	vm0 =	vmmov $0xffff;
	[sflag:s10] =	ssyncpa.u1 $0x0;
	s10 =	simm.s32 $0x0;
	s9 =	sadd.s32 $0x1, s8  }
.LBB2_4:
0xc: {  	v3 =	vshrl.u32 v0, $0xE;
	v62 =	vshll.u32 v0, $0xB;
	v2 =	vand.u32 $0x780, v2  }
0xd: {  	v3 =	vand.u32 $0x7F, v3;
	v0 =	vand.u32 $0x1FF800, v62;
	v2 =	vsel vm1, $0xFFFFFF80, v2  }
0xe: {  	v3 =	vsel vm1, $0xFFFFFFFF, v3;
	v0 =	vsel vm1, $0xFFFFF800, v0;
	v4 =	vand.u32 $0xFFFFFC00, v2  }
0xf: {  	v0 =	vadd.s32 v0, v4;
	v63 =	vand.u32 $0xFFFFFC00, v3  }
0x10: {  	v2 =	vand.u32 $0x380, v2;
	v0 =	vadd.s32 v63, v0  }
0x11: {  	v3 =	vand.u32 $0x7F, v3;
	v0 =	vor.u32 v2, v0  }
0x12: {  	v0 =	vor.u32 v3, v0;
	_ =	sdelay $0x1  }
0x13: {  	(ifvalue) =	ssetifvalue $0x7FFFFFFF;
	s15 =	sadd.s32 $0x10, s15  }
0x14: {  	[tilespmem:s15], [sflag:$0x1] =	stream.indirect_vreg.gather [hbm4b:s2+s10], $0x1, v1, vm0, $0x4038;
	[tilespmem:$0x4000] =	vst v63  }
0x15: {  	(ifvalue) =	ssetifvalue $0x7FFFFFFF;
	s15 =	sadd.s32 $0x10, s15  }
0x16: {  	[tilespmem:s15], [sflag:$0x1] =	stream.indirect_vreg.gather [hbm4b:s2+s10], $0x1, v0, vm0, $0x4038;
	[tilespmem:$0x4000] =	vst v63  }
0x17: {  	_ =	swait.ge [sflag:s6], $0x1000  }
0x18: {  	s30 =	sshrl.u32 s13, $0x3;
	[sflag:s6] =	ssyncset.done $0x0  }
0x19: {  	s31 =	sand.u32 $0x7, s13;
	s15 =	sadd.s32 s5, s30;
	[sflag:s6] =	ssyncadd.s32 $0xFFFFF000  }
0x1a: {  	[hbm4b:s15+s31] =	stream.linear.scatter [tilespmem:s14], [sflag:$0x3], $0x1000, $0x38;
	[tilespmem:$0x4000] =	vst v63  }
.LBB2_5:
0x1b: {  	s15 =	sadd.s32 $0x20000, s11  }
0x1c: {  	p2 =	sgt.s32 s15, $0x3FFFF  }
0x1d: {  	s15 =	smov.u32 @p2 s3;
	p2 =	sne.s32 s12, s9  }
.Ltmp1:
0x1e: {  	p1 =	slt.u32 s12, $0x2;
	(pc) =	sbr.rel @!p2 .LBB2_6-.Ltmp1, $4  }
0x1f: {  	s14 =	simm.s32 @!p1 $0x3  }
0x20: {  	s16 =	sadd.s32 $0x1, s12;
	_ =	swait.ge @!p1 [sflag:s14], $0x1000  }
0x21: {  	s13 =	smov.u32 s11;
	p0 =	por !p0, !p0;
	[sflag:s14] =	ssyncset.done @!p1 $0x0  }
0x22: {  	s12 =	smov.u32 s16;
	s11 =	smov.u32 s15;
	[sflag:s14] =	ssyncadd.s32 @!p1 $0xFFFFF000  }
.LBB2_1:
0x23: {  	p1 =	sge.u32 s12, s8  }
0x24: {  	s14 =	sxor.u32 @!p1 $0xFFFFFFFF, s12  }
0x25: {  	s31 =	sadd.s32 $0xFFFFFFFF, s12;
	s15 =	sshrl.u32 @!p1 s11, $0x3;
	s14 =	sshll.u32 @!p1 s14, $0xC  }
0x26: {  	s16 =	sand.u32 @!p1 $0x7, s11;
	s15 =	sadd.s32 @!p1 s4, s15;
	s14 =	sand.u32 @!p1 $0x1000, s14  }
0x27: {  	[tilespmem:s14], [sflag:$0x2] =	stream.linear.gather @!p1 [hbm4b:s15+s16], $0x1000, $0x38;
	[tilespmem:$0x4000] =	vst v63  }
0x28: {  	p1 =	sge.u32 s31, s8  }
.Ltmp2:
0x29: {  	_ = 	snop;
	(pc) =	sbr.rel @p1 .LBB2_5-.Ltmp2, $1  }
0x2a: {  	_ =	sdelay $0x3  }
0x2b: {  	s14 =	simm.s32 $0x1  }
0x2c: {  	_ =	swait.ge [sflag:s7], $0x1000;
	s14 =	simm.s32 @!p0 $0x0  }
0x2d: {  	[sflag:s7] =	ssyncset.done $0x0;
	s14 =	sshll.u32 s14, $0xC  }
0x2e: {  	[sflag:s7] =	ssyncadd.s32 $0xFFFFF000;
	(ifvalue) =	ssetifvalue $0x7FFFFFFF;
	v0 =	vld.msk [tilespmem:s14+$0x0 ss:$0x1], $0xffff;
	_ =	sdelay $0x2  }
0x2f: {  	s15 =	sadd.s32 $0x10, s14  }
0x30: {  	v3 =	vld.msk [tilespmem:s15+$0x0 ss:$0x1], $0xffff  }
0x31: {  	vm1 =	veq.s32 v0, $0x80000000;
	v1 =	vshrl.u32 v0, $0x3  }
0x32: {  	v2 =	vshrl.u32 v0, $0xE;
	v0 =	vshll.u32 v0, $0xB;
	v1 =	vand.u32 $0x780, v1  }
0x33: {  	v2 =	vand.u32 $0x7F, v2;
	v0 =	vand.u32 $0x1FF800, v0;
	v1 =	vsel vm1, $0xFFFFFF80, v1  }
0x34: {  	v2 =	vsel vm1, $0xFFFFFFFF, v2;
	v0 =	vsel vm1, $0xFFFFF800, v0;
	v4 =	vand.u32 $0xFFFFFC00, v1  }
0x35: {  	v62 =	vshrl.u32 v3, $0xE;
	v61 =	vand.u32 $0xFFFFFC00, v2;
	v0 =	vadd.s32 v0, v4  }
0x36: {  	vm1 =	veq.s32 v3, $0x80000000;
	v1 =	vand.u32 $0x380, v1;
	v0 =	vadd.s32 v61, v0  }
0x37: {  	v2 =	vand.u32 $0x7F, v2;
	v0 =	vor.u32 v1, v0;
	v1 =	vshrl.u32 v3, $0x3  }
0x38: {  	s17 =	sadd.s32 $0x10, s15;
	v4 =	vand.u32 $0x7F, v62;
	v3 =	vshll.u32 v3, $0xB;
	v1 =	vand.u32 $0x780, v1  }
0x39: {  	v2 =	vor.u32 v2, v0;
	v0 =	vld.msk [tilespmem:s17+$0x0 ss:$0x1], $0xffff;
	v3 =	vand.u32 $0x1FF800, v3;
	v1 =	vsel vm1, $0xFFFFFF80, v1  }
0x3a: {  	v4 =	vsel vm1, $0xFFFFFFFF, v4;
	v3 =	vsel vm1, $0xFFFFF800, v3;
	v5 =	vand.u32 $0xFFFFFC00, v1  }
0x3b: {  	s31 =	sshll.u32 s12, $0xC;
	v63 =	vand.u32 $0xFFFFFC00, v4;
	v3 =	vadd.s32 v3, v5  }
0x3c: {  	s16 =	simm.s32 $0x20;
	s15 =	sor.u32 $0x2000, s14;
	s14 =	sand.u32 $0x1000, s31;
	v1 =	vand.u32 $0x380, v1;
	v3 =	vadd.s32 v63, v3  }
0x3d: {  	s14 =	sor.u32 $0x2000, s14;
	v4 =	vand.u32 $0x7F, v4;
	(ifvalue) =	ssetifvalue $0x7FFFFFFF;
	s17 =	sadd.s32 $0x10, s17;
	v1 =	vor.u32 v1, v3  }
0x3e: {  	[tilespmem:s15], [sflag:$0x1] =	stream.indirect_vreg.gather [hbm4b:s2+s10], $0x1, v2, vm0, $0x4038;
	vm1 =	veq.s32 v0, $0x80000000;
	v2 =	vshrl.u32 v0, $0x3;
	v1 =	vor.u32 v4, v1;
	[tilespmem:$0x4000] =	vst v63  }
.LBB2_3:
0x3f: {  	s16 =	sadd.s32 $0x10, s16;
	v3 =	vshrl.u32 v0, $0xE;
	v4 =	vshll.u32 v0, $0xB;
	v0 =	vld.msk [tilespmem:s17+$0x0 ss:$0x1], $0xffff;
	v2 =	vand.u32 $0x780, v2  }
0x40: {  	p1 =	slt.u32 s16, $0xFF0;
	v3 =	vand.u32 $0x7F, v3;
	v4 =	vand.u32 $0x1FF800, v4;
	v2 =	vsel vm1, $0xFFFFFF80, v2  }
.Ltmp3:
0x41: {  	v3 =	vsel vm1, $0xFFFFFFFF, v3;
	v4 =	vsel vm1, $0xFFFFF800, v4;
	v5 =	vand.u32 $0xFFFFFC00, v2;
	(pc) =	sbr.rel @p1 .LBB2_3-.Ltmp3, $4  }
0x42: {  	s15 =	sadd.s32 $0x10, s15;
	v4 =	vadd.s32 v4, v5;
	v5 =	vand.u32 $0xFFFFFC00, v3;
	(ifvalue) =	ssetifvalue $0x7FFFFFFF  }
0x43: {  	v2 =	vand.u32 $0x380, v2;
	v4 =	vadd.s32 v5, v4;
	[tilespmem:s15], [sflag:$0x1] =	stream.indirect_vreg.gather [hbm4b:s2+s10], $0x1, v1, vm0, $0x4038;
	[tilespmem:$0x4000] =	vst v63  }
0x44: {  	v1 =	vand.u32 $0x7F, v3;
	v3 =	vor.u32 v2, v4  }
0x45: {  	s17 =	sadd.s32 $0x10, s17;
	vm1 =	veq.s32 v0, $0x80000000;
	v2 =	vshrl.u32 v0, $0x3;
	v1 =	vor.u32 v1, v3  }
.Ltmp4:
0x46: {  	_ = 	snop;
	(pc) =	sbr.rel .LBB2_4-.Ltmp4, $1  }
0x47: {  	_ =	sdelay $0x3  }
.LBB2_6:
0x48: {  	_ =	sfence.sel $0x180000  }
0x49: {  	s2 =	simm.s32 $0x2;
	[bflag:$0x0] =	sbarrier.arrive $0xFFFF  }
0x4a: {  	s30 =	simm.s32 $0x3;
	[sflag:s2] =	ssyncpa.u1 $0x1  }
0x4b: {  	s31 =	simm.s32 $0x1;
	[sflag:s30] =	ssyncpa.u1 $0x1  }
0x4c: {  	[sflag:s31] =	ssyncpa.u1 $0x1  }
0x4d: {  	p0 =	sne.s32 s0, $0x0;
	_ =	strace $0x9000004A  }
0x4e: {  	s0 =	sadd.s32 @!p0 $0x100000, s1;
	[bflag:$0x2] =	sbarrier.arrive $0xFFFF  }
0x4f: {  	[sflag:s0] =	ssyncadd.tile.s32 @!p0 $0x1;
	_ =	shalt  }
.Lfunc_end2:
_tile_overlayer_lowered:
.L_overlay_start_2:
0x50: {  	(tag) =	ssettag $0x2  }
0x51: {  	s0 =	rddreg [dreg:$0x0];
	s2 =	stileid.u32  }
0x52: {  	s1 =	rddreg [dreg:$0x1];
	p0 =	sne.s32 s2, $0x0  }
0x53: {  	s3 =	rddreg [dreg:$0x2];
	[bflag:$0x3] =	sbarrier.arrive $0xFFFF;
	s2 =	simm.s32 @!p0 $0x1C01  }
0x54: {  	[timem:s3], [sflag:s2] =	dma.local @!p0 [hbm:s0], s1  }
0x55: {  	s0 =	simm.s32 @!p0 $0x1  }
0x56: {  	_ =	swait.ge @!p0 [sflag:s0], s1  }
0x57: {  	s1 =	ssub.s32 @!p0 $0x0, s1;
	[sflag:s0] =	ssyncset.done @!p0 $0x0  }
0x58: {  	[sflag:s0] =	ssyncadd.s32 @!p0 s1  }
0x59: {  	[bflag:$0x3] =	sbarrier.arrive $0xFFFF  }
0x5a: {  	_ =	shalt  }

// kernel: gather_offload_async_start
scs
__scs_entry_jumppad:
0x0: {  	(pc) =	sbr.rel $0x88, $3  }
0x1: {  	(tag) =	ssettag $0x0;
	lr =	simm.s32 $0x1  }
0x2: {  	[smem:$0x3F9E] =	sst lr;
	_ =	strace $0xD0000000  }
0x3: {  	_ = 	snop  }
0x4: {  	_ = 	snop  }
0x5: {  	_ = 	snop  }
0x6: {  	_ = 	snop  }
0x7: {  	_ = 	snop  }
__scs_overlays_trampoline_lowered:
0x8: {  	[smem:$0x3FAD] =	sst s0  }
0x9: {  	[smem:$0x3FAE] =	sst s1  }
0xa: {  	[smem:$0x3FAF] =	sst s2  }
0xb: {  	[smem:$0x3FB0] =	sst s3  }
0xc: {  	[smem:$0x3FB1] =	sst s4  }
0xd: {  	[smem:$0x3FB2] =	sst s5  }
0xe: {  	[smem:$0x3FB3] =	sst s6  }
0xf: {  	[smem:$0x3FB4] =	sst s7  }
0x10: {  	[smem:$0x3FB5] =	sst s8  }
0x11: {  	[smem:$0x3FB6] =	sst s9;
	s0 =	simm.s32 @!p0 $0x0  }
0x12: {  	s1 =	sld [smem:$0x3F9C];
	s0 =	simm.s32 @p0 $0x1  }
0x13: {  	[smem:$0x3FB7] =	sst s0;
	s0 =	simm.s32 @!p1 $0x0  }
0x14: {  	s2 =	sld [smem:$0x3F9B];
	s0 =	simm.s32 @p1 $0x1  }
0x15: {  	[smem:$0x3FB8] =	sst s0;
	s0 =	simm.s32 @!p2 $0x0  }
0x16: {  	s3 =	sld [smem:$0x3FDB];
	s0 =	simm.s32 @p2 $0x1  }
0x17: {  	s4 =	simm.s32 $0x1BF5;
	[smem:$0x3FBA] =	sst s0  }
0x18: {  	s0 =	sld [smem:$0x3F9D];
	_ =	swait.ge [sflag:s4], $0x0  }
0x19: {  	s7 =	sld [smem:$0x3F9E]  }
0x1a: {  	s8 =	sadd.s32 $0xFFFFE003, lr  }
0x1b: {  	s9 =	sadd.s32 $0xFFFFFEF7, lr;
	s5 =	simm.s32 $0xFFFFFFFF;
	p2 =	slt.u32 s8, $0xFFFFF086  }
0x1c: {  	p1 =	slt.u32 s9, $0xF7A;
	s5 =	simm.s32 @!p2 $0x0  }
0x1d: {  	s5 =	simm.s32 @p1 $0x1;
	p0 =	seq.s32 s7, s2  }
0x1e: {  	s7 =	smul.u32 @!p0 $0xF7A, s2;
	p2 =	seq.s32 @!p0 s5, $0x0  }
0x1f: {  	s9 =	smul.u32 $0xF7A, s1;
	s8 =	simm.s32 @!p0 $0x1BF5;
	p2 =	por !p2, p0  }
0x20: {  	[sflag:s8] =	ssyncset.s32 @!p0 $0xFFFFF086;
	s6 =	sadd.s32 @!p0 s3, s7;
	s7 =	simm.s32 @!p0 $0x108  }
0x21: {  	s3 =	sadd.s32 s3, s9;
	s6 =	sadd.s32 @!p0 $0x88, s6;
	s7 =	simm.s32 @p2 $0x1082  }
0x22: {  	[simem:s7], [sflag:s8] =	dma.local @!p0 [hbm:s6], $0xF7A  }
0x23: {  	s9 =	sor.u32 $0xD0000000, s2;
	s6 =	simm.s32 $0x108;
	_ =	swait.ge @!p0 [sflag:s8], $0x0  }
0x24: {  	s3 =	sadd.s32 $0x88, s3;
	s6 =	simm.s32 @!p1 $0x1082;
	[sflag:s4] =	ssyncset.s32 $0xFFFFF086  }
0x25: {  	[simem:s6], [sflag:s4] =	dma.local [hbm:s3], $0xF7A  }
0x26: {  	[smem:$0x3F9E] =	sst s1;
	(tag) =	ssettag s2;
	_ =	strace s9  }
0x27: {  	s1 =	sld [smem:$0x3FAE]  }
0x28: {  	s2 =	sld [smem:$0x3FAF]  }
0x29: {  	s4 =	sld [smem:$0x3FB1]  }
0x2a: {  	p0 =	seq.s32 s5, $0x0;
	s5 =	sld [smem:$0x3FB2]  }
0x2b: {  	s6 =	sld [smem:$0x3FB3]  }
0x2c: {  	s7 =	sld [smem:$0x3FB4]  }
0x2d: {  	s3 =	simm.s32 $0x108;
	s8 =	sld [smem:$0x3FB5]  }
0x2e: {  	s3 =	simm.s32 @!p0 $0x1082;
	s9 =	sld [smem:$0x3FB6]  }
0x2f: {  	lr =	sadd.s32 s0, s3;
	s0 =	sld [smem:$0x3FAD]  }
0x30: {  	s3 =	sld [smem:$0x3FB0]  }
0x31: {  	[smem:$0x3FB9] =	sst s10  }
0x32: {  	s10 =	sld [smem:$0x3FB7];
	_ =	sdelay $0x3  }
0x33: {  	p0 =	seq.s32 s10, $0x1;
	s10 =	sld [smem:$0x3FB9];
	_ =	sdelay $0x3  }
0x34: {  	[smem:$0x3FB9] =	sst s10  }
0x35: {  	s10 =	sld [smem:$0x3FB8];
	_ =	sdelay $0x3  }
0x36: {  	p1 =	seq.s32 s10, $0x1;
	s10 =	sld [smem:$0x3FB9];
	_ =	sdelay $0x3  }
0x37: {  	[smem:$0x3FB9] =	sst s10  }
0x38: {  	s10 =	sld [smem:$0x3FBA]  }
0x39: {  	_ = 	snop;
	(pc) =	sbr.ind lr, $3  }
0x3a: {  	_ = 	snop  }
0x3b: {  	_ = 	snop  }
0x3c: {  	p2 =	seq.s32 s10, $0x1;
	s10 =	sld [smem:$0x3FB9]  }
0x3d: {  	_ =	shalt  }
0x3e: {  	_ =	shalt  }
0x3f: {  	_ =	shalt  }
0x40: {  	_ =	shalt  }
0x41: {  	_ =	shalt  }
0x42: {  	_ =	shalt  }
0x43: {  	_ =	shalt  }
0x44: {  	_ =	shalt  }
0x45: {  	_ =	shalt  }
0x46: {  	_ =	shalt  }
0x47: {  	_ =	shalt  }
0x48: {  	_ =	shalt  }
0x49: {  	_ =	shalt  }
0x4a: {  	_ =	shalt  }
0x4b: {  	_ =	shalt  }
0x4c: {  	_ =	shalt  }
0x4d: {  	_ =	shalt  }
0x4e: {  	_ =	shalt  }
0x4f: {  	_ =	shalt  }
0x50: {  	_ =	shalt  }
0x51: {  	_ =	shalt  }
0x52: {  	_ =	shalt  }
0x53: {  	_ =	shalt  }
0x54: {  	_ =	shalt  }
0x55: {  	_ =	shalt  }
0x56: {  	_ =	shalt  }
0x57: {  	_ =	shalt  }
0x58: {  	_ =	shalt  }
0x59: {  	_ =	shalt  }
0x5a: {  	_ =	shalt  }
0x5b: {  	_ =	shalt  }
0x5c: {  	_ =	shalt  }
0x5d: {  	_ =	shalt  }
0x5e: {  	_ =	shalt  }
0x5f: {  	_ =	shalt  }
0x60: {  	_ =	shalt  }
0x61: {  	_ =	shalt  }
0x62: {  	_ =	shalt  }
0x63: {  	_ =	shalt  }
0x64: {  	_ =	shalt  }
0x65: {  	_ =	shalt  }
0x66: {  	_ =	shalt  }
0x67: {  	_ =	shalt  }
0x68: {  	_ =	shalt  }
0x69: {  	_ =	shalt  }
0x6a: {  	_ =	shalt  }
0x6b: {  	_ =	shalt  }
0x6c: {  	_ =	shalt  }
0x6d: {  	_ =	shalt  }
0x6e: {  	_ =	shalt  }
0x6f: {  	_ =	shalt  }
0x70: {  	_ =	shalt  }
0x71: {  	_ =	shalt  }
0x72: {  	_ =	shalt  }
0x73: {  	_ =	shalt  }
0x74: {  	_ =	shalt  }
0x75: {  	_ =	shalt  }
0x76: {  	_ =	shalt  }
0x77: {  	_ =	shalt  }
0x78: {  	_ =	shalt  }
0x79: {  	_ =	shalt  }
0x7a: {  	_ =	shalt  }
0x7b: {  	_ =	shalt  }
0x7c: {  	_ =	shalt  }
0x7d: {  	_ =	shalt  }
0x7e: {  	_ =	shalt  }
0x7f: {  	_ =	shalt  }
0x80: {  	_ =	shalt  }
0x81: {  	_ =	shalt  }
0x82: {  	_ =	shalt  }
0x83: {  	_ =	shalt  }
0x84: {  	_ =	shalt  }
0x85: {  	_ =	shalt  }
0x86: {  	_ =	shalt  }
0x87: {  	_ =	shalt  }
.Lfunc_end0:
.L_simem_size_0:
called_computation_lowered:
.L_overlay_start_0:
0x88: {  	s2 =	sld [smem:$0x3FD9]  }
0x89: {  	s3 =	sld [smem:$0x3FFE];
	_ =	sdelay $0x1  }
0x8a: {  	s1 =	srdreg.scid  }
0x8b: {  	s0 =	sand.u32 $0x1, s1  }
0x8c: {  	s17 =	sshll.u32 s0, $0xA;
	s2 =	sadd.s32 s3, s2  }
0x8d: {  	s2 =	sadd.s32 s2, s17  }
0x8e: {  	[smem:$0x3FC5] =	sst s2  }
0x8f: {  	_ = 	snop  }
0x90: {  	s2 =	sld [smem:$0x3FD0];
	(tm) =	ssettm $0x1  }
0x91: {  	s18 =	sld [smem:$0x3FFB];
	_ =	sdelay $0x3  }
0x92: {  	_ =	strace s18  }
0x93: {  	s3 =	sld [smem:$0x3FFC];
	_ =	sdelay $0x3  }
0x94: {  	_ =	strace s3  }
0x95: {  	s3 =	sld [smem:$0x3FFD];
	_ =	sdelay $0x3  }
0x96: {  	_ =	strace s3  }
0x97: {  	_ =	strace $0x8FFFFFFF  }
0x98: {  	s19 =	sld [smem:$0x3FDB];
	_ =	sdelay $0x1  }
0x99: {  	s4 =	simm.s32 $_scs_section_size  }
0x9a: {  	s5 =	simm.s32 $_size__tile_overlayer_lowered;
	s6 =	simm.s32 $_tile_overlayer_lowered  }
0x9b: {  	s22 =	simm.s32 $0x1BFF;
	s21 =	sshll.u32 s6, $0x1;
	s3 =	sadd.s32 s4, s19  }
0x9c: {  	s7 =	simm.s32 $0x0;
	s20 =	sshll.u32 s5, $0x1;
	s5 =	sadd.s32 s21, s3  }
0x9d: {  	[timem:s7], [sflag:s22] =	dma.local [hbm:s5], s20  }
0x9e: {  	_ =	swait.ge [sflag:s22], s20  }
0x9f: {  	s4 =	ssub.s32 $0x0, s20;
	[sflag:s22] =	ssyncset.done $0x0  }
0xa0: {  	[sflag:s22] =	ssyncadd.s32 s4;
	_ =	sdelay $0x1  }
0xa1: {  	s23 =	simm.s32 $0x1B8B  }
0xa2: {  	_ =	swait.ge [sflag:s23], $0x1  }
0xa3: {  	[sflag:s23] =	ssyncset.done $0x0  }
0xa4: {  	s25 =	simm.s32 $0x1B8E;
	s24 =	sld [smem:$0x3FFE];
	[sflag:s23] =	ssyncadd.s32 $0xFFFFFFFF  }
0xa5: {  	s26 =	simm.s32 $execute0_lowered;
	[smem:$0x3FD2] =	sst s25  }
0xa6: {  	s5 =	sshll.u32 s26, $0x1;
	_ =	strace $0x80000046;
	[dreg:$0x1] =	wrdreg $0xFFFFFFFF  }
0xa7: {  	s28 =	simm.s32 $_size_execute0_lowered;
	s3 =	sadd.s32 s3, s5;
	[dreg:$0x0] =	wrdreg $0x0  }
0xa8: {  	s5 =	sshll.u32 s28, $0x1;
	[dreg:$0x2] =	wrdreg s3  }
0xa9: {  	[dreg:$0x3] =	wrdreg s5  }
0xaa: {  	[dreg:$0x4] =	wrdreg $0xC0  }
0xab: {  	_ =	task [dreg:s7], $0x5FFFF  }
0xac: {  	[dreg:$0x1] =	wrdreg $0xFFFFFFFF  }
0xad: {  	[dreg:$0x0] =	wrdreg $0x60  }
0xae: {  	[dreg:$0x2] =	wrdreg s24  }
0xaf: {  	[dreg:$0x3] =	wrdreg s2  }
0xb0: {  	[dreg:$0x4] =	wrdreg $0x9  }
0xb1: {  	_ =	task.clear_ibuf [dreg:s7], $0x5FFFF;
	_ =	strace $0x90000046  }
0xb2: {  	s29 =	simm.s32 $0x9;
	_ =	strace $0x80000048  }
0xb3: {  	_ =	swait.ge [sflag:s29], $0x1  }
0xb4: {  	[sflag:s29] =	ssyncadd.s32 $0xFFFFFFFF  }
0xb5: {  	_ =	strace $0x90000048  }
0xb6: {  	_ =	sfence  }
0xb7: {  	s30 =	sld [smem:$0x0];
	_ =	sdelay $0x2  }
0xb8: {  	s31 =	sshll.u32 s1, $0xD;
	s1 =	sshrl.u32 s1, $0x2  }
0xb9: {  	s3 =	sand.u32 $0x4000, s31;
	s1 =	sadd.s32 s1, s30  }
0xba: {  	s0 =	sor.u32 s3, s0;
	s1 =	sshll.u32 s1, $0x11  }
0xbb: {  	s0 =	sor.u32 s1, s0  }
0xbc: {  	s0 =	sadd.s32 $0x8F2B, s0  }
0xbd: {  	[sflag:s0] =	ssyncadd.remote.s32 $0x1  }
0xbe: {  	_ =	sfence.sel $0xFFFF  }
0xbf: {  	[dreg:$0x0] =	wrdreg $0xFFFFFFFF;
	(pc) =	sbr.abs _section_cstart, $3  }
0xc0: {  	[dreg:$0x1] =	wrdreg $0xFFFFFFFF  }
0xc1: {  	_ =	task.clear_ibuf [dreg:s7], $0x2FFFF;
	_ =	strace $0x9FFFFFFF  }
0xc2: {  	(tm) =	ssettm $0x7FFFFFFF  }
0xc3: {  	_ =	shalt  }
tec
execute0_lowered:
.L_overlay_start_1:
0x0: {  	(tag) =	ssettag $0x1  }
0x1: {  	s7 =	rddreg [dreg:$0x0]  }
0x2: {  	s2 =	rddreg [dreg:$0x1]  }
0x3: {  	s0 =	rddreg [dreg:$0x2]  }
0x4: {  	s1 =	srdreg.scid;
	_ =	strace $0x80000047;
	s4 =	simm.s32 $0x1  }
0x5: {  	s9 =	simm.s32 $0x3;
	s11 =	simm.s32 $0x0;
	s5 =	sshll.u32 s1, $0x4  }
.Ltmp0:
0x6: {  	s1 =	stileid.u32;
	s5 =	sand.u32 $0x10, s5;
	(pc) =	sbr.rel .LBB2_1-.Ltmp0, $4  }
0x7: {  	p0 =	por $0x0, $0x0;
	s3 =	sadd.s32 $0xE8E400, s7;
	s6 =	sor.u32 s1, s5  }
0x8: {  	[sflag:s4] =	ssyncpa.u1 $0x0;
	s5 =	simm.s32 $0x2;
	s6 =	sshll.u32 s6, $0x9  }
0x9: {  	s7 =	sadd.s32 $0x7400, s7;
	[sflag:s5] =	ssyncpa.u1 $0x0;
	s8 =	sadd.s32 $0x200, s6  }
0xa: {  	vm0 =	vmmov $0xff;
	vm1 =	vcmask $0x3F20;
	[sflag:s9] =	ssyncpa.u1 $0x0;
	s10 =	smov.u32 s6;
	s9 =	simm.s32 $0x0  }
.LBB2_7:
0xb: {  	p1 =	slt.u32 s9, $0x2;
	s11 =	sadd.s32 $0x100, s10  }
0xc: {  	s13 =	smov.u32 s6;
	s9 =	sadd.s32 $0x1, s9;
	p2 =	slt.s32 s11, s8  }
0xd: {  	s13 =	smov.u32 @p2 s11;
	p2 =	sne.s32 s9, $0x4  }
.Ltmp1:
0xe: {  	_ = 	snop;
	(pc) =	sbr.rel @!p2 .LBB2_8-.Ltmp1, $4  }
0xf: {  	s12 =	simm.s32 @!p1 $0x3  }
0x10: {  	_ =	swait.ge @!p1 [sflag:s12], $0x8000  }
0x11: {  	p0 =	por !p0, !p0;
	[sflag:s12] =	ssyncset.done @!p1 $0x0  }
0x12: {  	s11 =	smov.u32 s10;
	s10 =	smov.u32 s13;
	[sflag:s12] =	ssyncadd.s32 @!p1 $0xFFFF8000  }
.LBB2_1:
0x13: {  	p1 =	sgt.u32 s9, $0x1  }
0x14: {  	s12 =	sshll.u32 @!p1 s9, $0x8;
	s13 =	sshrl.u32 @!p1 s10, $0x3  }
0x15: {  	s14 =	sand.u32 @!p1 $0x7, s10;
	s12 =	sxor.u32 @!p1 $0x100, s12;
	s13 =	sadd.s32 @!p1 s7, s13  }
0x16: {  	[tilespmem:s12], [sflag:$0x2] =	stream.linear.gather @!p1 [hbm4b:s13+s14], $0x100, $0x38;
	[tilespmem:$0x10200] =	vst v63  }
0x17: {  	p1 =	seq.s32 s9, $0x0  }
0x18: {  	p2 =	seq.s32 @!p1 s9, $0x3  }
0x19: {  	p1 =	por p1, p2  }
.Ltmp2:
0x1a: {  	_ = 	snop;
	(pc) =	sbr.rel @p1 .LBB2_7-.Ltmp2, $1  }
0x1b: {  	_ =	sdelay $0x3  }
0x1c: {  	s12 =	simm.s32 $0x1  }
0x1d: {  	_ =	swait.ge [sflag:s5], $0x100;
	s12 =	simm.s32 @!p0 $0x0  }
0x1e: {  	[sflag:s5] =	ssyncset.done $0x0;
	s14 =	sshll.u32 s12, $0x8  }
0x1f: {  	[sflag:s5] =	ssyncadd.s32 $0xFFFFFF00;
	s13 =	sadd.s32 $0x0, s14  }
0x20: {  	v0 =	vld.msk [tilespmem:s13+$0x0 ss:$0x1], $0xffff;
	_ =	sdelay $0x4  }
0x21: {  	vm2 =	vgt.s32 v0, $0x0  }
0x22: {  	v0 =	vnsel vm2, $0x0, v0  }
0x23: {  	v0 =	vmin.u32 v0, $0xC3FFF  }
0x24: {  	v0 =	vshll.u32 v0, $0x4;
	_ =	sdelay $0x2  }
0x25: {  	s12 =	sshll.u32 s12, $0xF  }
0x26: {  	s12 =	sor.u32 $0x200, s12  }
0x27: {  	[tilespmem:s12], [sflag:$0x1] =	stream.indirect_vreg.gather [hbm:s3], $0x80, v0, vm0, $0x38;
	[tilespmem:$0x10200] =	vst v63  }
0x28: {  	s15 =	sadd.s32 $0x10, s14;
	s13 =	sadd.s32 $0x400, s12  }
0x29: {  	[tilespmem:s13], [sflag:$0x1] =	stream.indirect_vreg.gather [hbm:s3], $0x80, v0, vm1, $0x38;
	[tilespmem:$0x10200] =	vst v63  }
0x2a: {  	s16 =	simm.s32 $0x80;
	v0 =	vld.msk [tilespmem:s15+$0x0 ss:$0x1], $0xffff;
	s15 =	smov.u32 s12  }
.LBB2_3:
0x2b: {  	p1 =	sne.s32 s16, $0x3C0;
	_ =	sdelay $0x4  }
0x2c: {  	vm2 =	vgt.s32 v0, $0x0  }
0x2d: {  	v0 =	vnsel vm2, $0x0, v0  }
0x2e: {  	v0 =	vmin.u32 v0, $0xC3FFF  }
0x2f: {  	v0 =	vshll.u32 v0, $0x4;
	_ =	sdelay $0x3  }
.Ltmp3:
0x30: {  	s17 =	sshra.s32 s16, $0x2;
	s15 =	sadd.s32 $0x800, s15;
	(pc) =	sbr.rel @p1 .LBB2_3-.Ltmp3, $4  }
0x31: {  	[tilespmem:s15], [sflag:$0x1] =	stream.indirect_vreg.gather [hbm:s3], $0x80, v0, vm0, $0x38;
	[tilespmem:$0x10200] =	vst v63  }
0x32: {  	s17 =	sadd.s32 s17, s14;
	s18 =	sadd.s32 $0x400, s15  }
0x33: {  	[tilespmem:s18], [sflag:$0x1] =	stream.indirect_vreg.gather [hbm:s3], $0x80, v0, vm1, $0x38;
	[tilespmem:$0x10200] =	vst v63  }
0x34: {  	s16 =	sadd.s32 $0x40, s16;
	v0 =	vld.msk [tilespmem:s17+$0x0 ss:$0x1], $0xffff  }
0x35: {  	_ =	sdelay $0x3  }
0x36: {  	vm2 =	vgt.s32 v0, $0x0  }
0x37: {  	v0 =	vnsel vm2, $0x0, v0  }
0x38: {  	v0 =	vmin.u32 v0, $0xC3FFF  }
0x39: {  	v0 =	vshll.u32 v0, $0x4;
	_ =	sdelay $0x3  }
0x3a: {  	s14 =	sadd.s32 $0x800, s15  }
0x3b: {  	[tilespmem:s14], [sflag:$0x1] =	stream.indirect_vreg.gather [hbm:s3], $0x80, v0, vm0, $0x38;
	[tilespmem:$0x10200] =	vst v63  }
0x3c: {  	s14 =	sadd.s32 $0x400, s14  }
0x3d: {  	[tilespmem:s14], [sflag:$0x1] =	stream.indirect_vreg.gather [hbm:s3], $0x80, v0, vm1, $0x38;
	[tilespmem:$0x10200] =	vst v63  }
0x3e: {  	s11 =	sshll.u32 s11, $0x4;
	_ =	swait.ge [sflag:s4], $0x8000  }
0x3f: {  	s11 =	sadd.s32 s11, s2;
	[sflag:s4] =	ssyncset.done $0x0  }
0x40: {  	s15 =	sadd.s32 $0x0, s11;
	s14 =	simm.s32 $0x80;
	[sflag:s4] =	ssyncadd.s32 $0xFFFF8000  }
.LBB2_5:
0x41: {  	[hbm:s15] =	stream.linear.scatter [tilespmem:s12], [sflag:$0x3], $0x400, $0x38;
	[tilespmem:$0x10200] =	vst v63  }
0x42: {  	s15 =	smov.u32 s14;
	s12 =	smov.u32 s13;
	p1 =	sne.s32 s14, $0xF80  }
.Ltmp4:
0x43: {  	s14 =	sadd.s32 $0x80, s14;
	(pc) =	sbr.rel @p1 .LBB2_5-.Ltmp4, $2  }
0x44: {  	_ =	sdelay $0x2  }
0x45: {  	s13 =	sadd.s32 $0x400, s13;
	s15 =	sadd.s32 s15, s11  }
.Ltmp5:
0x46: {  	(pc) =	sbr.rel .LBB2_7-.Ltmp5, $2  }
0x47: {  	_ =	sdelay $0x2  }
0x48: {  	[hbm:s15] =	stream.linear.scatter [tilespmem:s12], [sflag:$0x3], $0x400, $0x38;
	[tilespmem:$0x10200] =	vst v63  }
.LBB2_8:
0x49: {  	_ =	sfence.sel $0x180000  }
0x4a: {  	s2 =	simm.s32 $0x2;
	[bflag:$0x0] =	sbarrier.arrive $0xFFFF  }
0x4b: {  	s30 =	simm.s32 $0x3;
	[sflag:s2] =	ssyncpa.u1 $0x1  }
0x4c: {  	s31 =	simm.s32 $0x1;
	[sflag:s30] =	ssyncpa.u1 $0x1  }
0x4d: {  	[sflag:s31] =	ssyncpa.u1 $0x1  }
0x4e: {  	p0 =	sne.s32 s1, $0x0;
	_ =	strace $0x90000047  }
0x4f: {  	s0 =	sadd.s32 @!p0 $0x100000, s0;
	[bflag:$0x2] =	sbarrier.arrive $0xFFFF  }
0x50: {  	[sflag:s0] =	ssyncadd.tile.s32 @!p0 $0x1;
	_ =	shalt  }
.Lfunc_end2:
_tile_overlayer_lowered:
.L_overlay_start_2:
0x51: {  	(tag) =	ssettag $0x2  }
0x52: {  	s0 =	rddreg [dreg:$0x0];
	s2 =	stileid.u32  }
0x53: {  	s1 =	rddreg [dreg:$0x1];
	p0 =	sne.s32 s2, $0x0  }
0x54: {  	s3 =	rddreg [dreg:$0x2];
	[bflag:$0x3] =	sbarrier.arrive $0xFFFF;
	s2 =	simm.s32 @!p0 $0x1C01  }
0x55: {  	[timem:s3], [sflag:s2] =	dma.local @!p0 [hbm:s0], s1  }
0x56: {  	s0 =	simm.s32 @!p0 $0x1  }
0x57: {  	_ =	swait.ge @!p0 [sflag:s0], s1  }
0x58: {  	s1 =	ssub.s32 @!p0 $0x0, s1;
	[sflag:s0] =	ssyncset.done @!p0 $0x0  }
0x59: {  	[sflag:s0] =	ssyncadd.s32 @!p0 s1  }
0x5a: {  	[bflag:$0x3] =	sbarrier.arrive $0xFFFF  }
0x5b: {  	_ =	shalt  }

// kernel: kernel.6.cloned.1.call-start
scs
__scs_entry_jumppad:
0x0: {  	(pc) =	sbr.rel $0x88, $3  }
0x1: {  	(tag) =	ssettag $0x0;
	lr =	simm.s32 $0x1  }
0x2: {  	[smem:$0x3F9E] =	sst lr;
	_ =	strace $0xD0000000  }
0x3: {  	_ = 	snop  }
0x4: {  	_ = 	snop  }
0x5: {  	_ = 	snop  }
0x6: {  	_ = 	snop  }
0x7: {  	_ = 	snop  }
__scs_overlays_trampoline_lowered:
0x8: {  	[smem:$0x3FAD] =	sst s0  }
0x9: {  	[smem:$0x3FAE] =	sst s1  }
0xa: {  	[smem:$0x3FAF] =	sst s2  }
0xb: {  	[smem:$0x3FB0] =	sst s3  }
0xc: {  	[smem:$0x3FB1] =	sst s4  }
0xd: {  	[smem:$0x3FB2] =	sst s5  }
0xe: {  	[smem:$0x3FB3] =	sst s6  }
0xf: {  	[smem:$0x3FB4] =	sst s7  }
0x10: {  	[smem:$0x3FB5] =	sst s8  }
0x11: {  	[smem:$0x3FB6] =	sst s9;
	s0 =	simm.s32 @!p0 $0x0  }
0x12: {  	s1 =	sld [smem:$0x3F9C];
	s0 =	simm.s32 @p0 $0x1  }
0x13: {  	[smem:$0x3FB7] =	sst s0;
	s0 =	simm.s32 @!p1 $0x0  }
0x14: {  	s2 =	sld [smem:$0x3F9B];
	s0 =	simm.s32 @p1 $0x1  }
0x15: {  	[smem:$0x3FB8] =	sst s0;
	s0 =	simm.s32 @!p2 $0x0  }
0x16: {  	s3 =	sld [smem:$0x3FDB];
	s0 =	simm.s32 @p2 $0x1  }
0x17: {  	s4 =	simm.s32 $0x1BF5;
	[smem:$0x3FBA] =	sst s0  }
0x18: {  	s0 =	sld [smem:$0x3F9D];
	_ =	swait.ge [sflag:s4], $0x0  }
0x19: {  	s7 =	sld [smem:$0x3F9E]  }
0x1a: {  	s8 =	sadd.s32 $0xFFFFE003, lr  }
0x1b: {  	s9 =	sadd.s32 $0xFFFFFEF7, lr;
	s5 =	simm.s32 $0xFFFFFFFF;
	p2 =	slt.u32 s8, $0xFFFFF086  }
0x1c: {  	p1 =	slt.u32 s9, $0xF7A;
	s5 =	simm.s32 @!p2 $0x0  }
0x1d: {  	s5 =	simm.s32 @p1 $0x1;
	p0 =	seq.s32 s7, s2  }
0x1e: {  	s7 =	smul.u32 @!p0 $0xF7A, s2;
	p2 =	seq.s32 @!p0 s5, $0x0  }
0x1f: {  	s9 =	smul.u32 $0xF7A, s1;
	s8 =	simm.s32 @!p0 $0x1BF5;
	p2 =	por !p2, p0  }
0x20: {  	[sflag:s8] =	ssyncset.s32 @!p0 $0xFFFFF086;
	s6 =	sadd.s32 @!p0 s3, s7;
	s7 =	simm.s32 @!p0 $0x108  }
0x21: {  	s3 =	sadd.s32 s3, s9;
	s6 =	sadd.s32 @!p0 $0x88, s6;
	s7 =	simm.s32 @p2 $0x1082  }
0x22: {  	[simem:s7], [sflag:s8] =	dma.local @!p0 [hbm:s6], $0xF7A  }
0x23: {  	s9 =	sor.u32 $0xD0000000, s2;
	s6 =	simm.s32 $0x108;
	_ =	swait.ge @!p0 [sflag:s8], $0x0  }
0x24: {  	s3 =	sadd.s32 $0x88, s3;
	s6 =	simm.s32 @!p1 $0x1082;
	[sflag:s4] =	ssyncset.s32 $0xFFFFF086  }
0x25: {  	[simem:s6], [sflag:s4] =	dma.local [hbm:s3], $0xF7A  }
0x26: {  	[smem:$0x3F9E] =	sst s1;
	(tag) =	ssettag s2;
	_ =	strace s9  }
0x27: {  	s1 =	sld [smem:$0x3FAE]  }
0x28: {  	s2 =	sld [smem:$0x3FAF]  }
0x29: {  	s4 =	sld [smem:$0x3FB1]  }
0x2a: {  	p0 =	seq.s32 s5, $0x0;
	s5 =	sld [smem:$0x3FB2]  }
0x2b: {  	s6 =	sld [smem:$0x3FB3]  }
0x2c: {  	s7 =	sld [smem:$0x3FB4]  }
0x2d: {  	s3 =	simm.s32 $0x108;
	s8 =	sld [smem:$0x3FB5]  }
0x2e: {  	s3 =	simm.s32 @!p0 $0x1082;
	s9 =	sld [smem:$0x3FB6]  }
0x2f: {  	lr =	sadd.s32 s0, s3;
	s0 =	sld [smem:$0x3FAD]  }
0x30: {  	s3 =	sld [smem:$0x3FB0]  }
0x31: {  	[smem:$0x3FB9] =	sst s10  }
0x32: {  	s10 =	sld [smem:$0x3FB7];
	_ =	sdelay $0x3  }
0x33: {  	p0 =	seq.s32 s10, $0x1;
	s10 =	sld [smem:$0x3FB9];
	_ =	sdelay $0x3  }
0x34: {  	[smem:$0x3FB9] =	sst s10  }
0x35: {  	s10 =	sld [smem:$0x3FB8];
	_ =	sdelay $0x3  }
0x36: {  	p1 =	seq.s32 s10, $0x1;
	s10 =	sld [smem:$0x3FB9];
	_ =	sdelay $0x3  }
0x37: {  	[smem:$0x3FB9] =	sst s10  }
0x38: {  	s10 =	sld [smem:$0x3FBA]  }
0x39: {  	_ = 	snop;
	(pc) =	sbr.ind lr, $3  }
0x3a: {  	_ = 	snop  }
0x3b: {  	_ = 	snop  }
0x3c: {  	p2 =	seq.s32 s10, $0x1;
	s10 =	sld [smem:$0x3FB9]  }
0x3d: {  	_ =	shalt  }
0x3e: {  	_ =	shalt  }
0x3f: {  	_ =	shalt  }
0x40: {  	_ =	shalt  }
0x41: {  	_ =	shalt  }
0x42: {  	_ =	shalt  }
0x43: {  	_ =	shalt  }
0x44: {  	_ =	shalt  }
0x45: {  	_ =	shalt  }
0x46: {  	_ =	shalt  }
0x47: {  	_ =	shalt  }
0x48: {  	_ =	shalt  }
0x49: {  	_ =	shalt  }
0x4a: {  	_ =	shalt  }
0x4b: {  	_ =	shalt  }
0x4c: {  	_ =	shalt  }
0x4d: {  	_ =	shalt  }
0x4e: {  	_ =	shalt  }
0x4f: {  	_ =	shalt  }
0x50: {  	_ =	shalt  }
0x51: {  	_ =	shalt  }
0x52: {  	_ =	shalt  }
0x53: {  	_ =	shalt  }
0x54: {  	_ =	shalt  }
0x55: {  	_ =	shalt  }
0x56: {  	_ =	shalt  }
0x57: {  	_ =	shalt  }
0x58: {  	_ =	shalt  }
0x59: {  	_ =	shalt  }
0x5a: {  	_ =	shalt  }
0x5b: {  	_ =	shalt  }
0x5c: {  	_ =	shalt  }
0x5d: {  	_ =	shalt  }
0x5e: {  	_ =	shalt  }
0x5f: {  	_ =	shalt  }
0x60: {  	_ =	shalt  }
0x61: {  	_ =	shalt  }
0x62: {  	_ =	shalt  }
0x63: {  	_ =	shalt  }
0x64: {  	_ =	shalt  }
0x65: {  	_ =	shalt  }
0x66: {  	_ =	shalt  }
0x67: {  	_ =	shalt  }
0x68: {  	_ =	shalt  }
0x69: {  	_ =	shalt  }
0x6a: {  	_ =	shalt  }
0x6b: {  	_ =	shalt  }
0x6c: {  	_ =	shalt  }
0x6d: {  	_ =	shalt  }
0x6e: {  	_ =	shalt  }
0x6f: {  	_ =	shalt  }
0x70: {  	_ =	shalt  }
0x71: {  	_ =	shalt  }
0x72: {  	_ =	shalt  }
0x73: {  	_ =	shalt  }
0x74: {  	_ =	shalt  }
0x75: {  	_ =	shalt  }
0x76: {  	_ =	shalt  }
0x77: {  	_ =	shalt  }
0x78: {  	_ =	shalt  }
0x79: {  	_ =	shalt  }
0x7a: {  	_ =	shalt  }
0x7b: {  	_ =	shalt  }
0x7c: {  	_ =	shalt  }
0x7d: {  	_ =	shalt  }
0x7e: {  	_ =	shalt  }
0x7f: {  	_ =	shalt  }
0x80: {  	_ =	shalt  }
0x81: {  	_ =	shalt  }
0x82: {  	_ =	shalt  }
0x83: {  	_ =	shalt  }
0x84: {  	_ =	shalt  }
0x85: {  	_ =	shalt  }
0x86: {  	_ =	shalt  }
0x87: {  	_ =	shalt  }
.Lfunc_end0:
.L_simem_size_0:
called_computation.2_lowered:
.L_overlay_start_0:
0x88: {  	s2 =	sld [smem:$0x3FD9]  }
0x89: {  	s3 =	sld [smem:$0x3FFE];
	_ =	sdelay $0x1  }
0x8a: {  	s1 =	srdreg.scid  }
0x8b: {  	s0 =	sand.u32 $0x1, s1  }
0x8c: {  	s17 =	sshll.u32 s0, $0xA;
	s2 =	sadd.s32 s3, s2  }
0x8d: {  	s2 =	sadd.s32 s2, s17  }
0x8e: {  	[smem:$0x3FC5] =	sst s2  }
0x8f: {  	_ = 	snop  }
0x90: {  	s2 =	sld [smem:$0x3FD0];
	(tm) =	ssettm $0x1  }
0x91: {  	s18 =	sld [smem:$0x3FFB];
	_ =	sdelay $0x3  }
0x92: {  	_ =	strace s18  }
0x93: {  	s3 =	sld [smem:$0x3FFC];
	_ =	sdelay $0x3  }
0x94: {  	_ =	strace s3  }
0x95: {  	s3 =	sld [smem:$0x3FFD];
	_ =	sdelay $0x3  }
0x96: {  	_ =	strace s3  }
0x97: {  	_ =	strace $0x8FFFFFFF  }
0x98: {  	s19 =	sld [smem:$0x3FDB];
	_ =	sdelay $0x1  }
0x99: {  	s4 =	simm.s32 $_scs_section_size  }
0x9a: {  	s5 =	simm.s32 $_size__tile_overlayer_lowered;
	s6 =	simm.s32 $_tile_overlayer_lowered  }
0x9b: {  	s22 =	simm.s32 $0x1BFF;
	s21 =	sshll.u32 s6, $0x1;
	s3 =	sadd.s32 s4, s19  }
0x9c: {  	s7 =	simm.s32 $0x0;
	s20 =	sshll.u32 s5, $0x1;
	s5 =	sadd.s32 s21, s3  }
0x9d: {  	[timem:s7], [sflag:s22] =	dma.local [hbm:s5], s20  }
0x9e: {  	_ =	swait.ge [sflag:s22], s20  }
0x9f: {  	s4 =	ssub.s32 $0x0, s20;
	[sflag:s22] =	ssyncset.done $0x0  }
0xa0: {  	[sflag:s22] =	ssyncadd.s32 s4;
	_ =	sdelay $0x1  }
0xa1: {  	s23 =	simm.s32 $0x1B8B  }
0xa2: {  	_ =	swait.ge [sflag:s23], $0x1  }
0xa3: {  	[sflag:s23] =	ssyncset.done $0x0  }
0xa4: {  	s25 =	simm.s32 $0x1B8E;
	s24 =	sld [smem:$0x3FFE];
	[sflag:s23] =	ssyncadd.s32 $0xFFFFFFFF  }
0xa5: {  	s26 =	simm.s32 $execute0_lowered;
	[smem:$0x3FD2] =	sst s25  }
0xa6: {  	s5 =	sshll.u32 s26, $0x1;
	_ =	strace $0x8000004C;
	[dreg:$0x1] =	wrdreg $0xFFFFFFFF  }
0xa7: {  	s28 =	simm.s32 $_size_execute0_lowered;
	s3 =	sadd.s32 s3, s5;
	[dreg:$0x0] =	wrdreg $0x0  }
0xa8: {  	s5 =	sshll.u32 s28, $0x1;
	[dreg:$0x2] =	wrdreg s3  }
0xa9: {  	[dreg:$0x3] =	wrdreg s5  }
0xaa: {  	[dreg:$0x4] =	wrdreg $0xC0  }
0xab: {  	_ =	task [dreg:s7], $0x5FFFF  }
0xac: {  	[dreg:$0x1] =	wrdreg $0xFFFFFFFF  }
0xad: {  	[dreg:$0x0] =	wrdreg $0x60  }
0xae: {  	[dreg:$0x2] =	wrdreg s24  }
0xaf: {  	[dreg:$0x3] =	wrdreg s2  }
0xb0: {  	[dreg:$0x4] =	wrdreg $0x9  }
0xb1: {  	_ =	task.clear_ibuf [dreg:s7], $0x5FFFF;
	_ =	strace $0x9000004C  }
0xb2: {  	s29 =	simm.s32 $0x9;
	_ =	strace $0x8000004E  }
0xb3: {  	_ =	swait.ge [sflag:s29], $0x1  }
0xb4: {  	[sflag:s29] =	ssyncadd.s32 $0xFFFFFFFF  }
0xb5: {  	_ =	strace $0x9000004E  }
0xb6: {  	_ =	sfence  }
0xb7: {  	s30 =	sld [smem:$0x0];
	_ =	sdelay $0x2  }
0xb8: {  	s31 =	sshll.u32 s1, $0xD;
	s1 =	sshrl.u32 s1, $0x2  }
0xb9: {  	s3 =	sand.u32 $0x4000, s31;
	s1 =	sadd.s32 s1, s30  }
0xba: {  	s0 =	sor.u32 s3, s0;
	s1 =	sshll.u32 s1, $0x11  }
0xbb: {  	s0 =	sor.u32 s1, s0  }
0xbc: {  	s0 =	sadd.s32 $0x8F2B, s0  }
0xbd: {  	[sflag:s0] =	ssyncadd.remote.s32 $0x1  }
0xbe: {  	_ =	sfence.sel $0xFFFF  }
0xbf: {  	[dreg:$0x0] =	wrdreg $0xFFFFFFFF;
	(pc) =	sbr.abs _section_cstart, $3  }
0xc0: {  	[dreg:$0x1] =	wrdreg $0xFFFFFFFF  }
0xc1: {  	_ =	task.clear_ibuf [dreg:s7], $0x2FFFF;
	_ =	strace $0x9FFFFFFF  }
0xc2: {  	(tm) =	ssettm $0x7FFFFFFF  }
0xc3: {  	_ =	shalt  }
tec
execute0_lowered:
.L_overlay_start_1:
0x0: {  	(tag) =	ssettag $0x1  }
0x1: {  	s0 =	srdreg.scid;
	s1 =	rddreg [dreg:$0x0]  }
0x2: {  	s2 =	stileid.u32;
	s4 =	rddreg [dreg:$0x1]  }
0x3: {  	s13 =	simm.s32 $0x900;
	s14 =	simm.s32 $0x1100;
	s15 =	simm.s32 $0x1900  }
0x4: {  	s16 =	simm.s32 $0x2100;
	s17 =	simm.s32 $0x2900;
	s18 =	simm.s32 $0x3100  }
0x5: {  	s19 =	simm.s32 $0x3900;
	s20 =	simm.s32 $0x4100;
	s21 =	simm.s32 $0x4900  }
0x6: {  	s22 =	simm.s32 $0x5100;
	s23 =	simm.s32 $0x5900;
	s28 =	simm.s32 $0x7900  }
0x7: {  	s29 =	simm.s32 $0x8100;
	s30 =	simm.s32 $0x8900;
	s31 =	simm.s32 $0x9100  }
0x8: {  	s10 =	simm.s32 $0xB900;
	s11 =	simm.s32 $0xC100;
	s0 =	sand.u32 $0x1, s0  }
0x9: {  	s3 =	sshll.u32 s2, $0x6;
	s2 =	simm.s32 $0x0;
	s5 =	sshll.u32 s0, $0x5  }
0xa: {  	[smem:$0x7FF] =	sst s2;
	s0 =	ssub.s32 $0x2, s0;
	s3 =	sor.u32 s5, s3  }
0xb: {  	_ =	strace $0x8000004D;
	s8 =	sshrl.u32 s0, $0x1;
	s5 =	smul.u32 $0x300, s3  }
0xc: {  	s6 =	smul.u32 $0x1800, s3;
	s7 =	sadd.s32 s3, s1;
	s3 =	sadd.s32 $0x1FE00, s1  }
0xd: {  	s0 =	ssub.s32 s0, s8;
	s8 =	simm.s32 $0x3;
	s7 =	sadd.s32 $0x2400, s7  }
0xe: {  	s9 =	sadd.s32 s4, s5;
	s24 =	sshrl.u32 s6, $0x3;
	[dreg:$0x3] =	wrdreg s7  }
0xf: {  	s5 =	sadd.s32 $0x1FF00, s1;
	s6 =	sadd.s32 $0x20000, s1;
	[dreg:$0x7] =	wrdreg s9  }
0x10: {  	s25 =	sadd.s32 $0x1800, s9;
	s4 =	sadd.s32 s4, s24;
	s24 =	simm.s32 $0x6100  }
0x11: {  	v2 =	vlaneseq.u32;
	s9 =	simm.s32 $0xA900;
	[dreg:$0x4] =	wrdreg s25;
	s26 =	sadd.s32 $0x3000, s4  }
0x12: {  	vm0 =	vmmov $0xffff;
	v1 =	vshrl.u32 v2, $0x3;
	s4 =	sadd.s32 $0x4800, s4;
	s25 =	simm.s32 $0x6900;
	[dreg:$0x5] =	wrdreg s26  }
0x13: {  	v0 =	vand.u32 $0x7, v2;
	v2 =	vor.u32 $0x8, v2;
	v1 =	vmul.u32 $0x8, v1;
	[dreg:$0x6] =	wrdreg s4;
	s4 =	smax.u32 s0, $0x1;
	s26 =	simm.s32 $0x7100  }
.LBB2_1:
0x14: {  	s12 =	rddreg [dreg:$0x3]  }
0x15: {  	[tilespmem:s2], [sflag:$0x3] =	stream.linear.gather [hbm4b:s12+s2], $0x100, $0x38;
	[tilespmem:$0x18100] =	vst v63  }
0x16: {  	_ =	swait.ge [sflag:s8], $0x100  }
0x17: {  	[sflag:s8] =	ssyncset.done $0x0  }
0x18: {  	[sflag:s8] =	ssyncadd.s32 $0xFFFFFF00  }
0x19: {  	v3 =	vld [tilespmem:$0x0];
	_ =	sdelay $0x4  }
0x1a: {  	v4 =	vshrl.u32 v3, $0x3  }
0x1b: {  	v4 =	vmul.u32 $0x30, v4  }
0x1c: {  	v3 =	vand.u32 $0x7, v3  }
0x1d: {  	v3 =	vor.u32 v3, v4  }
0x1e: {  	v4 =	vperm.xlane v3, v0;
	_ =	sdelay $0x1  }
0x1f: {  	v4 =	vadd.s32 v1, v4;
	_ =	sdelay $0x3  }
0x20: {  	s0 =	simm.s32 $0x100;
	v3 =	vperm.xlane v3, v2  }
0x21: {  	[tilespmem:s0], [sflag:$0x1] =	stream.indirect_vreg.gather [hbm4b:s3+s2], $0x80, v4, vm0, $0xb8;
	[tilespmem:$0x18100] =	vst v63  }
0x22: {  	v3 =	vadd.s32 v1, v3  }
0x23: {  	[tilespmem:s13], [sflag:$0x1] =	stream.indirect_vreg.gather [hbm4b:s5+s2], $0x80, v4, vm0, $0xb8;
	[tilespmem:$0x18100] =	vst v63  }
0x24: {  	_ = 	snop  }
0x25: {  	[tilespmem:s14], [sflag:$0x1] =	stream.indirect_vreg.gather [hbm4b:s6+s2], $0x80, v4, vm0, $0xb8;
	[tilespmem:$0x18100] =	vst v63  }
0x26: {  	_ = 	snop  }
0x27: {  	[tilespmem:s15], [sflag:$0x1] =	stream.indirect_vreg.gather [hbm4b:s3+s2], $0x80, v3, vm0, $0xb8;
	[tilespmem:$0x18100] =	vst v63  }
0x28: {  	_ = 	snop  }
0x29: {  	[tilespmem:s16], [sflag:$0x1] =	stream.indirect_vreg.gather [hbm4b:s5+s2], $0x80, v3, vm0, $0xb8;
	[tilespmem:$0x18100] =	vst v63  }
0x2a: {  	_ = 	snop  }
0x2b: {  	[tilespmem:s17], [sflag:$0x1] =	stream.indirect_vreg.gather [hbm4b:s6+s2], $0x80, v3, vm0, $0xb8;
	[tilespmem:$0x18100] =	vst v63  }
0x2c: {  	v3 =	vld [tilespmem:$0x10];
	_ =	sdelay $0x4  }
0x2d: {  	v49 =	vshrl.u32 v3, $0x3  }
0x2e: {  	v4 =	vmul.u32 $0x30, v49  }
0x2f: {  	v3 =	vand.u32 $0x7, v3  }
0x30: {  	v3 =	vor.u32 v3, v4  }
0x31: {  	v4 =	vperm.xlane v3, v0;
	_ =	sdelay $0x1  }
0x32: {  	v4 =	vadd.s32 v1, v4;
	_ =	sdelay $0x3  }
0x33: {  	v3 =	vperm.xlane v3, v2  }
0x34: {  	[tilespmem:s18], [sflag:$0x1] =	stream.indirect_vreg.gather [hbm4b:s3+s2], $0x80, v4, vm0, $0xb8;
	[tilespmem:$0x18100] =	vst v63  }
0x35: {  	v3 =	vadd.s32 v1, v3  }
0x36: {  	[tilespmem:s19], [sflag:$0x1] =	stream.indirect_vreg.gather [hbm4b:s5+s2], $0x80, v4, vm0, $0xb8;
	[tilespmem:$0x18100] =	vst v63  }
0x37: {  	_ = 	snop  }
0x38: {  	[tilespmem:s20], [sflag:$0x1] =	stream.indirect_vreg.gather [hbm4b:s6+s2], $0x80, v4, vm0, $0xb8;
	[tilespmem:$0x18100] =	vst v63  }
0x39: {  	_ = 	snop  }
0x3a: {  	[tilespmem:s21], [sflag:$0x1] =	stream.indirect_vreg.gather [hbm4b:s3+s2], $0x80, v3, vm0, $0xb8;
	[tilespmem:$0x18100] =	vst v63  }
0x3b: {  	_ = 	snop  }
0x3c: {  	[tilespmem:s22], [sflag:$0x1] =	stream.indirect_vreg.gather [hbm4b:s5+s2], $0x80, v3, vm0, $0xb8;
	[tilespmem:$0x18100] =	vst v63  }
0x3d: {  	_ = 	snop  }
0x3e: {  	[tilespmem:s23], [sflag:$0x1] =	stream.indirect_vreg.gather [hbm4b:s6+s2], $0x80, v3, vm0, $0xb8;
	[tilespmem:$0x18100] =	vst v63  }
0x3f: {  	v3 =	vld [tilespmem:$0x20];
	_ =	sdelay $0x4  }
0x40: {  	v50 =	vshrl.u32 v3, $0x3  }
0x41: {  	v4 =	vmul.u32 $0x30, v50  }
0x42: {  	v3 =	vand.u32 $0x7, v3  }
0x43: {  	v3 =	vor.u32 v3, v4  }
0x44: {  	v4 =	vperm.xlane v3, v0;
	_ =	sdelay $0x1  }
0x45: {  	v4 =	vadd.s32 v1, v4;
	_ =	sdelay $0x3  }
0x46: {  	v3 =	vperm.xlane v3, v2  }
0x47: {  	[tilespmem:s24], [sflag:$0x1] =	stream.indirect_vreg.gather [hbm4b:s3+s2], $0x80, v4, vm0, $0xb8;
	[tilespmem:$0x18100] =	vst v63  }
0x48: {  	v3 =	vadd.s32 v1, v3  }
0x49: {  	[tilespmem:s25], [sflag:$0x1] =	stream.indirect_vreg.gather [hbm4b:s5+s2], $0x80, v4, vm0, $0xb8;
	[tilespmem:$0x18100] =	vst v63  }
0x4a: {  	_ = 	snop  }
0x4b: {  	[tilespmem:s26], [sflag:$0x1] =	stream.indirect_vreg.gather [hbm4b:s6+s2], $0x80, v4, vm0, $0xb8;
	[tilespmem:$0x18100] =	vst v63  }
0x4c: {  	_ = 	snop  }
0x4d: {  	[tilespmem:s28], [sflag:$0x1] =	stream.indirect_vreg.gather [hbm4b:s3+s2], $0x80, v3, vm0, $0xb8;
	[tilespmem:$0x18100] =	vst v63  }
0x4e: {  	_ = 	snop  }
0x4f: {  	[tilespmem:s29], [sflag:$0x1] =	stream.indirect_vreg.gather [hbm4b:s5+s2], $0x80, v3, vm0, $0xb8;
	[tilespmem:$0x18100] =	vst v63  }
0x50: {  	_ = 	snop  }
0x51: {  	[tilespmem:s30], [sflag:$0x1] =	stream.indirect_vreg.gather [hbm4b:s6+s2], $0x80, v3, vm0, $0xb8;
	[tilespmem:$0x18100] =	vst v63  }
0x52: {  	v3 =	vld [tilespmem:$0x30];
	_ =	sdelay $0x4  }
0x53: {  	v51 =	vshrl.u32 v3, $0x3  }
0x54: {  	v4 =	vmul.u32 $0x30, v51  }
0x55: {  	v3 =	vand.u32 $0x7, v3  }
0x56: {  	v3 =	vor.u32 v3, v4  }
0x57: {  	v4 =	vperm.xlane v3, v0;
	_ =	sdelay $0x1  }
0x58: {  	v4 =	vadd.s32 v1, v4;
	_ =	sdelay $0x3  }
0x59: {  	v3 =	vperm.xlane v3, v2  }
0x5a: {  	[tilespmem:s31], [sflag:$0x1] =	stream.indirect_vreg.gather [hbm4b:s3+s2], $0x80, v4, vm0, $0xb8;
	[tilespmem:$0x18100] =	vst v63  }
0x5b: {  	s1 =	simm.s32 $0x9900;
	v3 =	vadd.s32 v1, v3  }
0x5c: {  	[tilespmem:s1], [sflag:$0x1] =	stream.indirect_vreg.gather [hbm4b:s5+s2], $0x80, v4, vm0, $0xb8;
	[tilespmem:$0x18100] =	vst v63  }
0x5d: {  	s12 =	simm.s32 $0xA100  }
0x5e: {  	[tilespmem:s12], [sflag:$0x1] =	stream.indirect_vreg.gather [hbm4b:s6+s2], $0x80, v4, vm0, $0xb8;
	[tilespmem:$0x18100] =	vst v63  }
0x5f: {  	_ = 	snop  }
0x60: {  	[tilespmem:s9], [sflag:$0x1] =	stream.indirect_vreg.gather [hbm4b:s3+s2], $0x80, v3, vm0, $0xb8;
	[tilespmem:$0x18100] =	vst v63  }
0x61: {  	s7 =	simm.s32 $0xB100  }
0x62: {  	[tilespmem:s7], [sflag:$0x1] =	stream.indirect_vreg.gather [hbm4b:s5+s2], $0x80, v3, vm0, $0xb8;
	[tilespmem:$0x18100] =	vst v63  }
0x63: {  	_ = 	snop  }
0x64: {  	[tilespmem:s10], [sflag:$0x1] =	stream.indirect_vreg.gather [hbm4b:s6+s2], $0x80, v3, vm0, $0xb8;
	[tilespmem:$0x18100] =	vst v63  }
0x65: {  	v3 =	vld [tilespmem:$0x40];
	_ =	sdelay $0x4  }
0x66: {  	v52 =	vshrl.u32 v3, $0x3  }
0x67: {  	v4 =	vmul.u32 $0x30, v52  }
0x68: {  	v3 =	vand.u32 $0x7, v3  }
0x69: {  	v3 =	vor.u32 v3, v4  }
0x6a: {  	v4 =	vperm.xlane v3, v0;
	_ =	sdelay $0x1  }
0x6b: {  	v4 =	vadd.s32 v1, v4;
	_ =	sdelay $0x3  }
0x6c: {  	v3 =	vperm.xlane v3, v2  }
0x6d: {  	[tilespmem:s11], [sflag:$0x2] =	stream.indirect_vreg.gather [hbm4b:s3+s2], $0x80, v4, vm0, $0xb8;
	[tilespmem:$0x18100] =	vst v63  }
0x6e: {  	s12 =	simm.s32 $0xC900;
	v3 =	vadd.s32 v1, v3  }
0x6f: {  	[tilespmem:s12], [sflag:$0x2] =	stream.indirect_vreg.gather [hbm4b:s5+s2], $0x80, v4, vm0, $0xb8;
	[tilespmem:$0x18100] =	vst v63  }
0x70: {  	s7 =	simm.s32 $0xD100  }
0x71: {  	[tilespmem:s7], [sflag:$0x2] =	stream.indirect_vreg.gather [hbm4b:s6+s2], $0x80, v4, vm0, $0xb8;
	[tilespmem:$0x18100] =	vst v63  }
0x72: {  	s12 =	simm.s32 $0xD900  }
0x73: {  	[tilespmem:s12], [sflag:$0x2] =	stream.indirect_vreg.gather [hbm4b:s3+s2], $0x80, v3, vm0, $0xb8;
	[tilespmem:$0x18100] =	vst v63  }
0x74: {  	s7 =	simm.s32 $0xE100  }
0x75: {  	[tilespmem:s7], [sflag:$0x2] =	stream.indirect_vreg.gather [hbm4b:s5+s2], $0x80, v3, vm0, $0xb8;
	[tilespmem:$0x18100] =	vst v63  }
0x76: {  	s12 =	simm.s32 $0xE900  }
0x77: {  	[tilespmem:s12], [sflag:$0x2] =	stream.indirect_vreg.gather [hbm4b:s6+s2], $0x80, v3, vm0, $0xb8;
	[tilespmem:$0x18100] =	vst v63  }
0x78: {  	v3 =	vld [tilespmem:$0x50];
	_ =	sdelay $0x4  }
0x79: {  	v53 =	vshrl.u32 v3, $0x3  }
0x7a: {  	v4 =	vmul.u32 $0x30, v53  }
0x7b: {  	v3 =	vand.u32 $0x7, v3  }
0x7c: {  	v3 =	vor.u32 v3, v4  }
0x7d: {  	v4 =	vperm.xlane v3, v0;
	_ =	sdelay $0x1  }
0x7e: {  	v4 =	vadd.s32 v1, v4;
	_ =	sdelay $0x3  }
0x7f: {  	s7 =	simm.s32 $0xF100;
	v3 =	vperm.xlane v3, v2  }
0x80: {  	[tilespmem:s7], [sflag:$0x2] =	stream.indirect_vreg.gather [hbm4b:s3+s2], $0x80, v4, vm0, $0xb8;
	[tilespmem:$0x18100] =	vst v63  }
0x81: {  	s12 =	simm.s32 $0xF900;
	v3 =	vadd.s32 v1, v3  }
0x82: {  	[tilespmem:s12], [sflag:$0x2] =	stream.indirect_vreg.gather [hbm4b:s5+s2], $0x80, v4, vm0, $0xb8;
	[tilespmem:$0x18100] =	vst v63  }
0x83: {  	s7 =	simm.s32 $0x10100  }
0x84: {  	[tilespmem:s7], [sflag:$0x2] =	stream.indirect_vreg.gather [hbm4b:s6+s2], $0x80, v4, vm0, $0xb8;
	[tilespmem:$0x18100] =	vst v63  }
0x85: {  	s12 =	simm.s32 $0x10900  }
0x86: {  	[tilespmem:s12], [sflag:$0x2] =	stream.indirect_vreg.gather [hbm4b:s3+s2], $0x80, v3, vm0, $0xb8;
	[tilespmem:$0x18100] =	vst v63  }
0x87: {  	s7 =	simm.s32 $0x11100  }
0x88: {  	[tilespmem:s7], [sflag:$0x2] =	stream.indirect_vreg.gather [hbm4b:s5+s2], $0x80, v3, vm0, $0xb8;
	[tilespmem:$0x18100] =	vst v63  }
0x89: {  	s12 =	simm.s32 $0x11900  }
0x8a: {  	[tilespmem:s12], [sflag:$0x2] =	stream.indirect_vreg.gather [hbm4b:s6+s2], $0x80, v3, vm0, $0xb8;
	[tilespmem:$0x18100] =	vst v63  }
0x8b: {  	v3 =	vld [tilespmem:$0x60];
	_ =	sdelay $0x4  }
0x8c: {  	v54 =	vshrl.u32 v3, $0x3  }
0x8d: {  	v4 =	vmul.u32 $0x30, v54  }
0x8e: {  	v3 =	vand.u32 $0x7, v3  }
0x8f: {  	v3 =	vor.u32 v3, v4  }
0x90: {  	v4 =	vperm.xlane v3, v0;
	_ =	sdelay $0x1  }
0x91: {  	v4 =	vadd.s32 v1, v4;
	_ =	sdelay $0x3  }
0x92: {  	s7 =	simm.s32 $0x12100;
	v3 =	vperm.xlane v3, v2  }
0x93: {  	[tilespmem:s7], [sflag:$0x2] =	stream.indirect_vreg.gather [hbm4b:s3+s2], $0x80, v4, vm0, $0xb8;
	[tilespmem:$0x18100] =	vst v63  }
0x94: {  	s12 =	simm.s32 $0x12900;
	v3 =	vadd.s32 v1, v3  }
0x95: {  	[tilespmem:s12], [sflag:$0x2] =	stream.indirect_vreg.gather [hbm4b:s5+s2], $0x80, v4, vm0, $0xb8;
	[tilespmem:$0x18100] =	vst v63  }
0x96: {  	s7 =	simm.s32 $0x13100  }
0x97: {  	[tilespmem:s7], [sflag:$0x2] =	stream.indirect_vreg.gather [hbm4b:s6+s2], $0x80, v4, vm0, $0xb8;
	[tilespmem:$0x18100] =	vst v63  }
0x98: {  	s12 =	simm.s32 $0x13900  }
0x99: {  	[tilespmem:s12], [sflag:$0x2] =	stream.indirect_vreg.gather [hbm4b:s3+s2], $0x80, v3, vm0, $0xb8;
	[tilespmem:$0x18100] =	vst v63  }
0x9a: {  	s7 =	simm.s32 $0x14100  }
0x9b: {  	[tilespmem:s7], [sflag:$0x2] =	stream.indirect_vreg.gather [hbm4b:s5+s2], $0x80, v3, vm0, $0xb8;
	[tilespmem:$0x18100] =	vst v63  }
0x9c: {  	s12 =	simm.s32 $0x14900  }
0x9d: {  	[tilespmem:s12], [sflag:$0x2] =	stream.indirect_vreg.gather [hbm4b:s6+s2], $0x80, v3, vm0, $0xb8;
	[tilespmem:$0x18100] =	vst v63  }
0x9e: {  	v3 =	vld [tilespmem:$0x70];
	_ =	sdelay $0x4  }
0x9f: {  	v55 =	vshrl.u32 v3, $0x3  }
0xa0: {  	v4 =	vmul.u32 $0x30, v55  }
0xa1: {  	v3 =	vand.u32 $0x7, v3  }
0xa2: {  	v3 =	vor.u32 v3, v4  }
0xa3: {  	v4 =	vperm.xlane v3, v0;
	_ =	sdelay $0x1  }
0xa4: {  	v4 =	vadd.s32 v1, v4;
	_ =	sdelay $0x3  }
0xa5: {  	s7 =	simm.s32 $0x15100;
	v3 =	vperm.xlane v3, v2  }
0xa6: {  	[tilespmem:s7], [sflag:$0x2] =	stream.indirect_vreg.gather [hbm4b:s3+s2], $0x80, v4, vm0, $0xb8;
	[tilespmem:$0x18100] =	vst v63  }
0xa7: {  	s12 =	simm.s32 $0x15900;
	v3 =	vadd.s32 v1, v3  }
0xa8: {  	[tilespmem:s12], [sflag:$0x2] =	stream.indirect_vreg.gather [hbm4b:s5+s2], $0x80, v4, vm0, $0xb8;
	[tilespmem:$0x18100] =	vst v63  }
0xa9: {  	s7 =	simm.s32 $0x16100  }
0xaa: {  	[tilespmem:s7], [sflag:$0x2] =	stream.indirect_vreg.gather [hbm4b:s6+s2], $0x80, v4, vm0, $0xb8;
	[tilespmem:$0x18100] =	vst v63  }
0xab: {  	s12 =	simm.s32 $0x16900  }
0xac: {  	[tilespmem:s12], [sflag:$0x2] =	stream.indirect_vreg.gather [hbm4b:s3+s2], $0x80, v3, vm0, $0xb8;
	[tilespmem:$0x18100] =	vst v63  }
0xad: {  	s7 =	simm.s32 $0x17100  }
0xae: {  	[tilespmem:s7], [sflag:$0x2] =	stream.indirect_vreg.gather [hbm4b:s5+s2], $0x80, v3, vm0, $0xb8;
	[tilespmem:$0x18100] =	vst v63  }
0xaf: {  	s0 =	simm.s32 $0x1;
	s12 =	simm.s32 $0x17900  }
0xb0: {  	[tilespmem:s12], [sflag:$0x2] =	stream.indirect_vreg.gather [hbm4b:s6+s2], $0x80, v3, vm0, $0xb8;
	[tilespmem:$0x18100] =	vst v63  }
0xb1: {  	_ =	swait.ge [sflag:s0], $0xC000  }
0xb2: {  	[sflag:s0] =	ssyncset.done $0x0  }
0xb3: {  	s7 =	simm.s32 $0x100;
	s12 =	rddreg [dreg:$0x7];
	[sflag:s0] =	ssyncadd.s32 $0xFFFF4000  }
0xb4: {  	[hbm4b:s12+s2] =	stream.linear.scatter [tilespmem:s7], [sflag:$0x3], $0xC000, $0x38;
	[tilespmem:$0x18100] =	vst v63  }
0xb5: {  	_ =	swait.ge [sflag:s8], $0xC000  }
0xb6: {  	[sflag:s8] =	ssyncset.done $0x0  }
0xb7: {  	[sflag:s8] =	ssyncadd.s32 $0xFFFF4000  }
0xb8: {  	v3 =	vld [tilespmem:$0x80];
	_ =	sdelay $0x4  }
0xb9: {  	v56 =	vshrl.u32 v3, $0x3  }
0xba: {  	v4 =	vmul.u32 $0x30, v56  }
0xbb: {  	v3 =	vand.u32 $0x7, v3  }
0xbc: {  	v3 =	vor.u32 v3, v4  }
0xbd: {  	v4 =	vperm.xlane v3, v0;
	_ =	sdelay $0x1  }
0xbe: {  	v4 =	vadd.s32 v1, v4;
	_ =	sdelay $0x3  }
0xbf: {  	v3 =	vperm.xlane v3, v2  }
0xc0: {  	[tilespmem:s7], [sflag:$0x1] =	stream.indirect_vreg.gather [hbm4b:s3+s2], $0x80, v4, vm0, $0xb8;
	[tilespmem:$0x18100] =	vst v63  }
0xc1: {  	v3 =	vadd.s32 v1, v3  }
0xc2: {  	[tilespmem:s13], [sflag:$0x1] =	stream.indirect_vreg.gather [hbm4b:s5+s2], $0x80, v4, vm0, $0xb8;
	[tilespmem:$0x18100] =	vst v63  }
0xc3: {  	_ = 	snop  }
0xc4: {  	[tilespmem:s14], [sflag:$0x1] =	stream.indirect_vreg.gather [hbm4b:s6+s2], $0x80, v4, vm0, $0xb8;
	[tilespmem:$0x18100] =	vst v63  }
0xc5: {  	_ = 	snop  }
0xc6: {  	[tilespmem:s15], [sflag:$0x1] =	stream.indirect_vreg.gather [hbm4b:s3+s2], $0x80, v3, vm0, $0xb8;
	[tilespmem:$0x18100] =	vst v63  }
0xc7: {  	_ = 	snop  }
0xc8: {  	[tilespmem:s16], [sflag:$0x1] =	stream.indirect_vreg.gather [hbm4b:s5+s2], $0x80, v3, vm0, $0xb8;
	[tilespmem:$0x18100] =	vst v63  }
0xc9: {  	_ = 	snop  }
0xca: {  	[tilespmem:s17], [sflag:$0x1] =	stream.indirect_vreg.gather [hbm4b:s6+s2], $0x80, v3, vm0, $0xb8;
	[tilespmem:$0x18100] =	vst v63  }
0xcb: {  	v3 =	vld [tilespmem:$0x90];
	_ =	sdelay $0x4  }
0xcc: {  	v57 =	vshrl.u32 v3, $0x3  }
0xcd: {  	v4 =	vmul.u32 $0x30, v57  }
0xce: {  	v3 =	vand.u32 $0x7, v3  }
0xcf: {  	v3 =	vor.u32 v3, v4  }
0xd0: {  	v4 =	vperm.xlane v3, v0;
	_ =	sdelay $0x1  }
0xd1: {  	v4 =	vadd.s32 v1, v4;
	_ =	sdelay $0x3  }
0xd2: {  	v3 =	vperm.xlane v3, v2  }
0xd3: {  	[tilespmem:s18], [sflag:$0x1] =	stream.indirect_vreg.gather [hbm4b:s3+s2], $0x80, v4, vm0, $0xb8;
	[tilespmem:$0x18100] =	vst v63  }
0xd4: {  	v3 =	vadd.s32 v1, v3  }
0xd5: {  	[tilespmem:s19], [sflag:$0x1] =	stream.indirect_vreg.gather [hbm4b:s5+s2], $0x80, v4, vm0, $0xb8;
	[tilespmem:$0x18100] =	vst v63  }
0xd6: {  	_ = 	snop  }
0xd7: {  	[tilespmem:s20], [sflag:$0x1] =	stream.indirect_vreg.gather [hbm4b:s6+s2], $0x80, v4, vm0, $0xb8;
	[tilespmem:$0x18100] =	vst v63  }
0xd8: {  	_ = 	snop  }
0xd9: {  	[tilespmem:s21], [sflag:$0x1] =	stream.indirect_vreg.gather [hbm4b:s3+s2], $0x80, v3, vm0, $0xb8;
	[tilespmem:$0x18100] =	vst v63  }
0xda: {  	_ = 	snop  }
0xdb: {  	[tilespmem:s22], [sflag:$0x1] =	stream.indirect_vreg.gather [hbm4b:s5+s2], $0x80, v3, vm0, $0xb8;
	[tilespmem:$0x18100] =	vst v63  }
0xdc: {  	_ = 	snop  }
0xdd: {  	[tilespmem:s23], [sflag:$0x1] =	stream.indirect_vreg.gather [hbm4b:s6+s2], $0x80, v3, vm0, $0xb8;
	[tilespmem:$0x18100] =	vst v63  }
0xde: {  	v3 =	vld [tilespmem:$0xA0];
	_ =	sdelay $0x4  }
0xdf: {  	v58 =	vshrl.u32 v3, $0x3  }
0xe0: {  	v4 =	vmul.u32 $0x30, v58  }
0xe1: {  	v3 =	vand.u32 $0x7, v3  }
0xe2: {  	v3 =	vor.u32 v3, v4  }
0xe3: {  	v4 =	vperm.xlane v3, v0;
	_ =	sdelay $0x1  }
0xe4: {  	v4 =	vadd.s32 v1, v4;
	_ =	sdelay $0x3  }
0xe5: {  	v3 =	vperm.xlane v3, v2  }
0xe6: {  	[tilespmem:s24], [sflag:$0x1] =	stream.indirect_vreg.gather [hbm4b:s3+s2], $0x80, v4, vm0, $0xb8;
	[tilespmem:$0x18100] =	vst v63  }
0xe7: {  	v3 =	vadd.s32 v1, v3  }
0xe8: {  	[tilespmem:s25], [sflag:$0x1] =	stream.indirect_vreg.gather [hbm4b:s5+s2], $0x80, v4, vm0, $0xb8;
	[tilespmem:$0x18100] =	vst v63  }
0xe9: {  	_ = 	snop  }
0xea: {  	[tilespmem:s26], [sflag:$0x1] =	stream.indirect_vreg.gather [hbm4b:s6+s2], $0x80, v4, vm0, $0xb8;
	[tilespmem:$0x18100] =	vst v63  }
0xeb: {  	_ = 	snop  }
0xec: {  	[tilespmem:s28], [sflag:$0x1] =	stream.indirect_vreg.gather [hbm4b:s3+s2], $0x80, v3, vm0, $0xb8;
	[tilespmem:$0x18100] =	vst v63  }
0xed: {  	_ = 	snop  }
0xee: {  	[tilespmem:s29], [sflag:$0x1] =	stream.indirect_vreg.gather [hbm4b:s5+s2], $0x80, v3, vm0, $0xb8;
	[tilespmem:$0x18100] =	vst v63  }
0xef: {  	_ = 	snop  }
0xf0: {  	[tilespmem:s30], [sflag:$0x1] =	stream.indirect_vreg.gather [hbm4b:s6+s2], $0x80, v3, vm0, $0xb8;
	[tilespmem:$0x18100] =	vst v63  }
0xf1: {  	v3 =	vld [tilespmem:$0xB0];
	_ =	sdelay $0x4  }
0xf2: {  	v59 =	vshrl.u32 v3, $0x3  }
0xf3: {  	v4 =	vmul.u32 $0x30, v59  }
0xf4: {  	v3 =	vand.u32 $0x7, v3  }
0xf5: {  	v3 =	vor.u32 v3, v4  }
0xf6: {  	v4 =	vperm.xlane v3, v0;
	_ =	sdelay $0x1  }
0xf7: {  	v4 =	vadd.s32 v1, v4;
	_ =	sdelay $0x3  }
0xf8: {  	v3 =	vperm.xlane v3, v2  }
0xf9: {  	[tilespmem:s31], [sflag:$0x1] =	stream.indirect_vreg.gather [hbm4b:s3+s2], $0x80, v4, vm0, $0xb8;
	[tilespmem:$0x18100] =	vst v63  }
0xfa: {  	v3 =	vadd.s32 v1, v3  }
0xfb: {  	[tilespmem:s1], [sflag:$0x1] =	stream.indirect_vreg.gather [hbm4b:s5+s2], $0x80, v4, vm0, $0xb8;
	[tilespmem:$0x18100] =	vst v63  }
0xfc: {  	s7 =	simm.s32 $0xA100  }
0xfd: {  	[tilespmem:s7], [sflag:$0x1] =	stream.indirect_vreg.gather [hbm4b:s6+s2], $0x80, v4, vm0, $0xb8;
	[tilespmem:$0x18100] =	vst v63  }
0xfe: {  	_ = 	snop  }
0xff: {  	[tilespmem:s9], [sflag:$0x1] =	stream.indirect_vreg.gather [hbm4b:s3+s2], $0x80, v3, vm0, $0xb8;
	[tilespmem:$0x18100] =	vst v63  }
0x100: {  	s12 =	simm.s32 $0xB100  }
0x101: {  	[tilespmem:s12], [sflag:$0x1] =	stream.indirect_vreg.gather [hbm4b:s5+s2], $0x80, v3, vm0, $0xb8;
	[tilespmem:$0x18100] =	vst v63  }
0x102: {  	s1 =	simm.s32 $0x2  }
0x103: {  	[tilespmem:s10], [sflag:$0x1] =	stream.indirect_vreg.gather [hbm4b:s6+s2], $0x80, v3, vm0, $0xb8;
	[tilespmem:$0x18100] =	vst v63  }
0x104: {  	_ =	swait.ge [sflag:s1], $0xC000  }
0x105: {  	[sflag:s1] =	ssyncset.done $0x0  }
0x106: {  	s7 =	rddreg [dreg:$0x4];
	[sflag:s1] =	ssyncadd.s32 $0xFFFF4000  }
0x107: {  	[hbm4b:s7+s2] =	stream.linear.scatter [tilespmem:s11], [sflag:$0x3], $0xC000, $0x38;
	[tilespmem:$0x18100] =	vst v63  }
0x108: {  	_ =	swait.ge [sflag:s8], $0xC000  }
0x109: {  	[sflag:s8] =	ssyncset.done $0x0  }
0x10a: {  	[sflag:s8] =	ssyncadd.s32 $0xFFFF4000  }
0x10b: {  	v3 =	vld [tilespmem:$0xC0];
	_ =	sdelay $0x4  }
0x10c: {  	v60 =	vshrl.u32 v3, $0x3  }
0x10d: {  	v4 =	vmul.u32 $0x30, v60  }
0x10e: {  	v3 =	vand.u32 $0x7, v3  }
0x10f: {  	v3 =	vor.u32 v3, v4  }
0x110: {  	v4 =	vperm.xlane v3, v0;
	_ =	sdelay $0x1  }
0x111: {  	v4 =	vadd.s32 v1, v4;
	_ =	sdelay $0x3  }
0x112: {  	v3 =	vperm.xlane v3, v2  }
0x113: {  	[tilespmem:s11], [sflag:$0x2] =	stream.indirect_vreg.gather [hbm4b:s3+s2], $0x80, v4, vm0, $0xb8;
	[tilespmem:$0x18100] =	vst v63  }
0x114: {  	s12 =	simm.s32 $0xC900;
	v3 =	vadd.s32 v1, v3  }
0x115: {  	[tilespmem:s12], [sflag:$0x2] =	stream.indirect_vreg.gather [hbm4b:s5+s2], $0x80, v4, vm0, $0xb8;
	[tilespmem:$0x18100] =	vst v63  }
0x116: {  	s12 =	simm.s32 $0xD100  }
0x117: {  	[tilespmem:s12], [sflag:$0x2] =	stream.indirect_vreg.gather [hbm4b:s6+s2], $0x80, v4, vm0, $0xb8;
	[tilespmem:$0x18100] =	vst v63  }
0x118: {  	s12 =	simm.s32 $0xD900  }
0x119: {  	[tilespmem:s12], [sflag:$0x2] =	stream.indirect_vreg.gather [hbm4b:s3+s2], $0x80, v3, vm0, $0xb8;
	[tilespmem:$0x18100] =	vst v63  }
0x11a: {  	s12 =	simm.s32 $0xE100  }
0x11b: {  	[tilespmem:s12], [sflag:$0x2] =	stream.indirect_vreg.gather [hbm4b:s5+s2], $0x80, v3, vm0, $0xb8;
	[tilespmem:$0x18100] =	vst v63  }
0x11c: {  	s12 =	simm.s32 $0xE900  }
0x11d: {  	[tilespmem:s12], [sflag:$0x2] =	stream.indirect_vreg.gather [hbm4b:s6+s2], $0x80, v3, vm0, $0xb8;
	[tilespmem:$0x18100] =	vst v63  }
0x11e: {  	v3 =	vld [tilespmem:$0xD0];
	_ =	sdelay $0x4  }
0x11f: {  	v61 =	vshrl.u32 v3, $0x3  }
0x120: {  	v4 =	vmul.u32 $0x30, v61  }
0x121: {  	v3 =	vand.u32 $0x7, v3  }
0x122: {  	v3 =	vor.u32 v3, v4  }
0x123: {  	v4 =	vperm.xlane v3, v0;
	_ =	sdelay $0x1  }
0x124: {  	v4 =	vadd.s32 v1, v4;
	_ =	sdelay $0x3  }
0x125: {  	s12 =	simm.s32 $0xF100;
	v3 =	vperm.xlane v3, v2  }
0x126: {  	[tilespmem:s12], [sflag:$0x2] =	stream.indirect_vreg.gather [hbm4b:s3+s2], $0x80, v4, vm0, $0xb8;
	[tilespmem:$0x18100] =	vst v63  }
0x127: {  	v3 =	vadd.s32 v1, v3;
	s12 =	simm.s32 $0xF900  }
0x128: {  	[tilespmem:s12], [sflag:$0x2] =	stream.indirect_vreg.gather [hbm4b:s5+s2], $0x80, v4, vm0, $0xb8;
	[tilespmem:$0x18100] =	vst v63  }
0x129: {  	s12 =	simm.s32 $0x10100  }
0x12a: {  	[tilespmem:s12], [sflag:$0x2] =	stream.indirect_vreg.gather [hbm4b:s6+s2], $0x80, v4, vm0, $0xb8;
	[tilespmem:$0x18100] =	vst v63  }
0x12b: {  	s12 =	simm.s32 $0x10900  }
0x12c: {  	[tilespmem:s12], [sflag:$0x2] =	stream.indirect_vreg.gather [hbm4b:s3+s2], $0x80, v3, vm0, $0xb8;
	[tilespmem:$0x18100] =	vst v63  }
0x12d: {  	s12 =	simm.s32 $0x11100  }
0x12e: {  	[tilespmem:s12], [sflag:$0x2] =	stream.indirect_vreg.gather [hbm4b:s5+s2], $0x80, v3, vm0, $0xb8;
	[tilespmem:$0x18100] =	vst v63  }
0x12f: {  	s12 =	simm.s32 $0x11900  }
0x130: {  	[tilespmem:s12], [sflag:$0x2] =	stream.indirect_vreg.gather [hbm4b:s6+s2], $0x80, v3, vm0, $0xb8;
	[tilespmem:$0x18100] =	vst v63  }
0x131: {  	v3 =	vld [tilespmem:$0xE0];
	_ =	sdelay $0x4  }
0x132: {  	v62 =	vshrl.u32 v3, $0x3  }
0x133: {  	v4 =	vmul.u32 $0x30, v62  }
0x134: {  	v3 =	vand.u32 $0x7, v3  }
0x135: {  	v3 =	vor.u32 v3, v4  }
0x136: {  	v4 =	vperm.xlane v3, v0;
	_ =	sdelay $0x1  }
0x137: {  	v4 =	vadd.s32 v1, v4;
	_ =	sdelay $0x3  }
0x138: {  	s12 =	simm.s32 $0x12100;
	v3 =	vperm.xlane v3, v2  }
0x139: {  	[tilespmem:s12], [sflag:$0x2] =	stream.indirect_vreg.gather [hbm4b:s3+s2], $0x80, v4, vm0, $0xb8;
	[tilespmem:$0x18100] =	vst v63  }
0x13a: {  	v3 =	vadd.s32 v1, v3;
	s12 =	simm.s32 $0x12900  }
0x13b: {  	[tilespmem:s12], [sflag:$0x2] =	stream.indirect_vreg.gather [hbm4b:s5+s2], $0x80, v4, vm0, $0xb8;
	[tilespmem:$0x18100] =	vst v63  }
0x13c: {  	s12 =	simm.s32 $0x13100  }
0x13d: {  	[tilespmem:s12], [sflag:$0x2] =	stream.indirect_vreg.gather [hbm4b:s6+s2], $0x80, v4, vm0, $0xb8;
	[tilespmem:$0x18100] =	vst v63  }
0x13e: {  	s12 =	simm.s32 $0x13900  }
0x13f: {  	[tilespmem:s12], [sflag:$0x2] =	stream.indirect_vreg.gather [hbm4b:s3+s2], $0x80, v3, vm0, $0xb8;
	[tilespmem:$0x18100] =	vst v63  }
0x140: {  	s12 =	simm.s32 $0x14100  }
0x141: {  	[tilespmem:s12], [sflag:$0x2] =	stream.indirect_vreg.gather [hbm4b:s5+s2], $0x80, v3, vm0, $0xb8;
	[tilespmem:$0x18100] =	vst v63  }
0x142: {  	s12 =	simm.s32 $0x14900  }
0x143: {  	[tilespmem:s12], [sflag:$0x2] =	stream.indirect_vreg.gather [hbm4b:s6+s2], $0x80, v3, vm0, $0xb8;
	[tilespmem:$0x18100] =	vst v63  }
0x144: {  	v3 =	vld [tilespmem:$0xF0];
	_ =	sdelay $0x4  }
0x145: {  	v63 =	vshrl.u32 v3, $0x3  }
0x146: {  	v4 =	vmul.u32 $0x30, v63  }
0x147: {  	v3 =	vand.u32 $0x7, v3  }
0x148: {  	v3 =	vor.u32 v3, v4  }
0x149: {  	v4 =	vperm.xlane v3, v0;
	_ =	sdelay $0x1  }
0x14a: {  	v4 =	vadd.s32 v1, v4;
	_ =	sdelay $0x3  }
0x14b: {  	s12 =	simm.s32 $0x15100;
	v3 =	vperm.xlane v3, v2  }
0x14c: {  	[tilespmem:s12], [sflag:$0x2] =	stream.indirect_vreg.gather [hbm4b:s3+s2], $0x80, v4, vm0, $0xb8;
	[tilespmem:$0x18100] =	vst v63  }
0x14d: {  	v3 =	vadd.s32 v1, v3;
	s12 =	simm.s32 $0x15900  }
0x14e: {  	[tilespmem:s12], [sflag:$0x2] =	stream.indirect_vreg.gather [hbm4b:s5+s2], $0x80, v4, vm0, $0xb8;
	[tilespmem:$0x18100] =	vst v63  }
0x14f: {  	s12 =	simm.s32 $0x16100  }
0x150: {  	[tilespmem:s12], [sflag:$0x2] =	stream.indirect_vreg.gather [hbm4b:s6+s2], $0x80, v4, vm0, $0xb8;
	[tilespmem:$0x18100] =	vst v63  }
0x151: {  	s12 =	simm.s32 $0x16900  }
0x152: {  	[tilespmem:s12], [sflag:$0x2] =	stream.indirect_vreg.gather [hbm4b:s3+s2], $0x80, v3, vm0, $0xb8;
	[tilespmem:$0x18100] =	vst v63  }
0x153: {  	s12 =	simm.s32 $0x17100  }
0x154: {  	[tilespmem:s12], [sflag:$0x2] =	stream.indirect_vreg.gather [hbm4b:s5+s2], $0x80, v3, vm0, $0xb8;
	[tilespmem:$0x18100] =	vst v63  }
0x155: {  	s12 =	simm.s32 $0x17900  }
0x156: {  	[tilespmem:s12], [sflag:$0x2] =	stream.indirect_vreg.gather [hbm4b:s6+s2], $0x80, v3, vm0, $0xb8;
	[tilespmem:$0x18100] =	vst v63  }
0x157: {  	_ =	swait.ge [sflag:s0], $0xC000  }
0x158: {  	[sflag:s0] =	ssyncset.done $0x0  }
0x159: {  	s7 =	simm.s32 $0x100;
	s12 =	rddreg [dreg:$0x5];
	[sflag:s0] =	ssyncadd.s32 $0xFFFF4000  }
0x15a: {  	[hbm4b:s12+s2] =	stream.linear.scatter [tilespmem:s7], [sflag:$0x3], $0xC000, $0x38;
	[tilespmem:$0x18100] =	vst v63  }
0x15b: {  	_ =	swait.ge [sflag:s8], $0xC000  }
0x15c: {  	[sflag:s8] =	ssyncset.done $0x0  }
0x15d: {  	[sflag:s8] =	ssyncadd.s32 $0xFFFF4000  }
0x15e: {  	_ =	swait.ge [sflag:s1], $0xC000  }
0x15f: {  	p0 =	sne.s32 s4, $0x1;
	[sflag:s1] =	ssyncset.done $0x0  }
.Ltmp0:
0x160: {  	s7 =	rddreg [dreg:$0x6];
	[sflag:s1] =	ssyncadd.s32 $0xFFFF4000;
	(pc) =	sbr.rel @p0 .LBB2_1-.Ltmp0, $4  }
0x161: {  	[hbm4b:s7+s2] =	stream.linear.scatter [tilespmem:s11], [sflag:$0x3], $0xC000, $0x38;
	[tilespmem:$0x18100] =	vst v63  }
0x162: {  	_ =	swait.ge [sflag:s8], $0xC000  }
0x163: {  	[sflag:s8] =	ssyncset.done $0x0  }
0x164: {  	s4 =	sadd.s32 $0xFFFFFFFF, s4;
	[sflag:s8] =	ssyncadd.s32 $0xFFFF4000  }
0x165: {  	_ =	sfence.sel $0x180000  }
0x166: {  	[bflag:$0x0] =	sbarrier.arrive $0xFFFF  }
0x167: {  	_ =	strace $0x9000004D  }
0x168: {  	s0 =	stileid.u32;
	[bflag:$0x2] =	sbarrier.arrive $0xFFFF  }
0x169: {  	p0 =	sne.s32 s0, $0x0;
	s0 =	rddreg [dreg:$0x2]  }
0x16a: {  	s0 =	sadd.s32 @!p0 $0x100000, s0  }
0x16b: {  	[sflag:s0] =	ssyncadd.tile.s32 @!p0 $0x1;
	_ =	shalt  }
.Lfunc_end2:
_tile_overlayer_lowered:
.L_overlay_start_2:
0x16c: {  	(tag) =	ssettag $0x2  }
0x16d: {  	s0 =	rddreg [dreg:$0x0];
	s2 =	stileid.u32  }
0x16e: {  	s1 =	rddreg [dreg:$0x1];
	p0 =	sne.s32 s2, $0x0  }
0x16f: {  	s3 =	rddreg [dreg:$0x2];
	[bflag:$0x3] =	sbarrier.arrive $0xFFFF;
	s2 =	simm.s32 @!p0 $0x1C03  }
0x170: {  	[timem:s3], [sflag:s2] =	dma.local @!p0 [hbm:s0], s1  }
0x171: {  	s0 =	simm.s32 @!p0 $0x3  }
0x172: {  	_ =	swait.ge @!p0 [sflag:s0], s1  }
0x173: {  	s1 =	ssub.s32 @!p0 $0x0, s1;
	[sflag:s0] =	ssyncset.done @!p0 $0x0  }
0x174: {  	[sflag:s0] =	ssyncadd.s32 @!p0 s1  }
0x175: {  	[bflag:$0x3] =	sbarrier.arrive $0xFFFF  }
0x176: {  	_ =	shalt  }

</sc_bundles>
